<compile_context>
chip_gen: v7x
topology: tpu7x:2x2x1
jax: 0.10.2.dev20260603
libtpu: 0.0.44.dev20260713+nightly
codegen_flags: <defaults>
</compile_context>

<pallas_src>
import jax
import jax.numpy as jnp
from jax import lax
from jax.experimental import pallas as pl
from jax.experimental.pallas import tpu as pltpu
from jax.experimental.pallas import tpu_sc as plsc

B, E, N, H = 16, 256, 127, 64
MAXN = N + 1
CELLS = MAXN * MAXN
PROWS = CELLS // 2
NUPD = 2 * E
F32 = jnp.float32
HIGH = jax.lax.Precision.HIGHEST


def _ln(x, g, b, eps=1e-5):
    m = jnp.mean(x, axis=-1, keepdims=True)
    d = x - m
    v = jnp.mean(d * d, axis=-1, keepdims=True)
    return d * jax.lax.rsqrt(v + eps) * g + b


def _onehot_embed(idx_list, tab_hi, tab_lo, nrows):
    p = idx_list[0].shape[0]
    t = lax.broadcasted_iota(jnp.int32, (p, nrows), 1)
    oh = (t == idx_list[0]).astype(jnp.bfloat16)
    for idx in idx_list[1:]:
        oh = oh + (t == idx).astype(jnp.bfloat16)
    return (jnp.dot(oh, tab_hi, preferred_element_type=F32)
            + jnp.dot(oh, tab_lo, preferred_element_type=F32))


def _vpu_matmul4(ff, w, bias):
    acc = ff[:, 0:1] * w[0:1, :] + bias
    for r in range(1, 4):
        acc = acc + ff[:, r:r + 1] * w[r:r + 1, :]
    return acc


def _combo_table(sct, scg, scb):
    r = lax.broadcasted_iota(jnp.int32, (256, 1), 0)
    t16 = lax.broadcasted_iota(jnp.int32, (256, 16), 1)
    oh0 = (t16 == r // 16).astype(F32)
    oh1 = (t16 == r % 16).astype(F32)
    pair = (jnp.dot(oh0, sct[1:17, :], preferred_element_type=F32,
                    precision=HIGH)
            + jnp.dot(oh1, sct[34:50, :], preferred_element_type=F32,
                      precision=HIGH))
    return _ln(pair, scg, scb)


_TN = (((0,), (0,)), ((), ()))


def _struct_chunk(comboT, ffT, cmb_hi, cmb_lo, sfW, sfb, sfg, sfb2,
                  s_G, s_wb, s_rsum, s_bb, s_bsum):
    p = comboT.shape[1]
    t = lax.broadcasted_iota(jnp.int32, (256, p), 0)
    ohT = (t == comboT).astype(jnp.bfloat16)
    ce = (lax.dot_general(ohT, cmb_hi, _TN, preferred_element_type=F32)
          + lax.dot_general(ohT, cmb_lo, _TN, preferred_element_type=F32))
    y = lax.dot_general(ffT, sfW, _TN, precision=HIGH,
                        preferred_element_type=F32) + sfb
    fr = tuple(ffT[r:r + 1, :] for r in range(4))
    m = jnp.zeros((1, p), F32) + s_bsum
    for a in range(4):
        m = m + fr[a] * s_rsum[a:a + 1, 0:1]
    m = m * (1.0 / H)
    quad = jnp.zeros((1, p), F32) + s_bb
    for a in range(4):
        quad = quad + 2.0 * fr[a] * s_wb[a:a + 1, 0:1]
        quad = quad + fr[a] * fr[a] * s_G[a:a + 1, a:a + 1]
        for c in range(a + 1, 4):
            quad = quad + 2.0 * fr[a] * fr[c] * s_G[a:a + 1, c:c + 1]
    var = quad * (1.0 / H) - m * m
    rs = jax.lax.rsqrt(var + 1e-5)
    m_col = jnp.transpose(m, (1, 0))
    rs_col = jnp.transpose(rs, (1, 0))
    fe = (y - m_col) * rs_col * sfg + sfb2
    return ce + fe


def _dense_body(
    sfc_ref, sff_ref,
    bfc_ref, bff_ref, bmask_ref,
    bidx_a_ref, bidx_col_ref, bidx_row_ref,
    bct_hi_ref, bct_lo_ref, bcg_ref, bcb_ref,
    bfW_ref, bfb_ref, bfg_ref, bfb2_ref,
    sct_ref, scg_ref, scb_ref,
    sfW_ref, sfb_ref, sfg_ref, sfb2_ref,
    ve_ref, revW_ref, revb_ref,
    hs_ref, v_ref, c_ref,
):
    bprog = pl.program_id(0)
    sfW, sfb = sfW_ref[...], sfb_ref[...]
    sfg, sfb2 = sfg_ref[...], sfb2_ref[...]
    ve = ve_ref[...]

    cmb = _combo_table(sct_ref[...], scg_ref[...], scb_ref[...])
    cmb_hi = cmb.astype(jnp.bfloat16)
    cmb_lo = (cmb - cmb_hi.astype(F32)).astype(jnp.bfloat16)
    nt = (((1,), (1,)), ((), ()))
    s_G = lax.dot_general(sfW, sfW, nt, precision=HIGH)
    s_wb = lax.dot_general(sfW, sfb, nt, precision=HIGH)
    s_rsum = jnp.sum(sfW, axis=1, keepdims=True)
    s_bb = jnp.sum(sfb * sfb, axis=1, keepdims=True)
    s_bsum = jnp.sum(sfb, axis=1, keepdims=True)

    chunk = 2048
    for ch in range(PROWS // chunk):
        sl = pl.ds(ch * chunk, chunk)
        comboT = jnp.concatenate(
            [sfc_ref[0, 0:1, sl] * 16 + sfc_ref[0, 1:2, sl],
             sfc_ref[0, 2:3, sl] * 16 + sfc_ref[0, 3:4, sl]],
            axis=1)
        ffT = jnp.concatenate(
            [sff_ref[0, 0:4, sl], sff_ref[0, 4:8, sl]], axis=1)
        val = _struct_chunk(comboT, ffT, cmb_hi, cmb_lo,
                            sfW, sfb, sfg, sfb2,
                            s_G, s_wb, s_rsum, s_bb, s_bsum)
        val_e, val_o = val[:chunk], val[chunk:]
        q = lax.broadcasted_iota(jnp.int32, (chunk, 1), 0) + ch * chunk
        isve_e = jnp.logical_or(q < MAXN // 2, q % (MAXN // 2) == 0)
        isve_o = q < MAXN // 2
        val_e = jnp.where(isve_e, ve, val_e)
        val_o = jnp.where(isve_o, ve, val_o)
        hs_ref[0, sl, :] = jnp.concatenate([val_e, val_o], axis=1)

    bc = bfc_ref[0]
    ce = _onehot_embed([bc[:, 0:1] + 1, bc[:, 1:2] + 18, bc[:, 2:3] + 27],
                       bct_hi_ref[...], bct_lo_ref[...], 35)
    ce = _ln(ce, bcg_ref[...], bcb_ref[...])
    fe = _vpu_matmul4(bff_ref[0], bfW_ref[...], bfb_ref[...])
    fe = _ln(fe, bfg_ref[...], bfb2_ref[...])
    hb = (ce + fe) * bmask_ref[0]
    rev = jnp.dot(hb, revW_ref[...], precision=HIGH,
                  preferred_element_type=F32) + revb_ref[...]
    upd = jnp.concatenate([hb, rev], axis=0)

    bi = bidx_a_ref[0] + 1
    bi0 = bi[0]
    bi1 = bi[1]
    qf = bi0 * (MAXN // 2) + (bi1 // 2)
    qr = bi1 * (MAXN // 2) + (bi0 // 2)
    c_ref[0] = jnp.concatenate([qf, qr], axis=0) + bprog * PROWS

    col = bidx_col_ref[0] + 1
    row = bidx_row_ref[0] + 1
    pk = col[:, 0:1] * MAXN + col[:, 1:2]
    plr = row[0:1, :] * MAXN + row[1:2, :]
    ebase = 2 * (pk // 2)
    eq_l = (plr == ebase).astype(jnp.bfloat16)
    eq_r = (plr == ebase + 1).astype(jnp.bfloat16)
    upd_bf = upd.astype(jnp.bfloat16)
    v_l = jnp.dot(eq_l, upd_bf, preferred_element_type=F32)
    v_r = jnp.dot(eq_r, upd_bf, preferred_element_type=F32)
    v_ref[0] = jnp.concatenate([v_l, v_r], axis=1)


def _sc_scatter_body(hs_ref, c_hbm, v_hbm, idx_v, v_v, g_v, sem):
    core = lax.axis_index("c")
    sub = lax.axis_index("s")
    b = core * 8 + sub // 2
    half = lax.rem(sub, 2)

    pltpu.sync_copy(c_hbm.at[pl.ds(b * 4 + half * 2, 2)], idx_v)
    pltpu.sync_copy(v_hbm.at[pl.ds(b * NUPD + half * 256, 256)], v_v)

    cp0 = pltpu.async_copy(hs_ref.at[idx_v.at[0]], g_v.at[pl.ds(0, 128)], sem)
    cp1 = pltpu.async_copy(hs_ref.at[idx_v.at[1]],
                           g_v.at[pl.ds(128, 128)], sem)
    cp0.wait()
    cp1.wait()

    def add_row(k, _):
        for q in range(8):
            qs = pl.ds(q * 16, 16)
            g_v[k, qs] = g_v[k, qs] + v_v[k, qs]
        return 0

    lax.fori_loop(0, 256, add_row, 0)

    plsc.subcore_barrier()

    cp0 = pltpu.async_copy(g_v.at[pl.ds(0, 128)], hs_ref.at[idx_v.at[0]], sem)
    cp1 = pltpu.async_copy(g_v.at[pl.ds(128, 128)],
                           hs_ref.at[idx_v.at[1]], sem)
    cp0.wait()
    cp1.wait()


def _dense_phase(bond_index, bond_feat_cate, bond_feat_float, bond_mask,
                 structure_feat_cate, structure_feat_float,
                 bond_cate_table, bond_cate_ln_g, bond_cate_ln_b,
                 bond_float_W, bond_float_b, bond_float_ln_g, bond_float_ln_b,
                 struct_cate_table, struct_cate_ln_g, struct_cate_ln_b,
                 struct_float_W, struct_float_b, struct_float_ln_g,
                 struct_float_ln_b, virtual_edge_emb, rev_W, rev_b):
    sfc = jnp.transpose(
        jnp.pad(structure_feat_cate,
                ((0, 0), (1, 0), (1, 0), (0, 0))).reshape(B, PROWS, 4),
        (0, 2, 1))
    sff = jnp.transpose(
        jnp.pad(structure_feat_float,
                ((0, 0), (1, 0), (1, 0), (0, 0))).reshape(B, PROWS, 8),
        (0, 2, 1))
    bmask = bond_mask.reshape(B, E, 1)
    bf16 = jnp.bfloat16
    bct_hi = bond_cate_table.astype(bf16)
    bct_lo = (bond_cate_table - bct_hi.astype(F32)).astype(bf16)
    bidx_a = bond_index.reshape(B, 2, 2, 128)
    fwd = jnp.stack([bond_index[:, 0, :], bond_index[:, 1, :]], axis=-1)
    bwd = jnp.stack([bond_index[:, 1, :], bond_index[:, 0, :]], axis=-1)
    bidx_col = jnp.concatenate([fwd, bwd], axis=1)
    bidx_row = jnp.transpose(bidx_col, (0, 2, 1))

    row2 = lambda x: x.reshape(1, H)
    weights = (
        bct_hi, bct_lo, row2(bond_cate_ln_g), row2(bond_cate_ln_b),
        bond_float_W, row2(bond_float_b), row2(bond_float_ln_g),
        row2(bond_float_ln_b),
        struct_cate_table, row2(struct_cate_ln_g), row2(struct_cate_ln_b),
        struct_float_W, row2(struct_float_b), row2(struct_float_ln_g),
        row2(struct_float_ln_b),
        virtual_edge_emb.reshape(1, H), rev_W, row2(rev_b),
    )

    batch_spec = lambda shape: pl.BlockSpec(
        (1,) + shape, lambda b: (b,) + (0,) * len(shape))
    full_spec = lambda arr: pl.BlockSpec(
        arr.shape, lambda b, _r=len(arr.shape): (0,) * _r)

    hs, v_upd, c_idx = pl.pallas_call(
        _dense_body,
        grid=(B,),
        in_specs=[
            batch_spec((4, PROWS)), batch_spec((8, PROWS)),
            batch_spec((E, 3)), batch_spec((E, 4)), batch_spec((E, 1)),
            batch_spec((2, 2, 128)), batch_spec((NUPD, 2)),
            batch_spec((2, NUPD)),
        ] + [full_spec(w) for w in weights],
        out_specs=[
            batch_spec((PROWS, 2 * H)),
            batch_spec((NUPD, 2 * H)),
            batch_spec((4, 128)),
        ],
        out_shape=[
            jax.ShapeDtypeStruct((B, PROWS, 2 * H), F32),
            jax.ShapeDtypeStruct((B, NUPD, 2 * H), F32),
            jax.ShapeDtypeStruct((B, 4, 128), jnp.int32),
        ],
        compiler_params=pltpu.CompilerParams(
            vmem_limit_bytes=60 * 1024 * 1024,
        ),
    )(sfc, sff, bond_feat_cate, bond_feat_float, bmask,
      bidx_a, bidx_col, bidx_row, *weights)
    return hs, v_upd, c_idx


def kernel(*args):
    hs, v_upd, c_idx = _dense_phase(*args)

    mesh = plsc.VectorSubcoreMesh(core_axis_name="c", subcore_axis_name="s")
    sc_scatter = pl.kernel(
        _sc_scatter_body,
        out_type=(),
        mesh=mesh,
        scratch_types=[
            pltpu.VMEM((2, 128), jnp.int32),
            pltpu.VMEM((256, 2 * H), F32),
            pltpu.VMEM((256, 2 * H), F32),
            pltpu.SemaphoreType.DMA,
        ],
    )
    hs_ref = jax.new_ref(hs.reshape(B * PROWS, 2 * H))
    sc_scatter(hs_ref, c_idx.reshape(B * 4, 128),
               v_upd.reshape(B * NUPD, 2 * H))
    return hs_ref[...].reshape(B, MAXN, MAXN, H)

# --- scband reference (transcript-rebuilt; emitter-appended) ---
"""Pipeline reference for scband-structure-embedding-layer-44444321579169 (READ-ONLY COPY).

The authoritative reference and input builder live on the scoring server;
editing this copy changes nothing except your own understanding.
"""

import jax, jax.numpy as jnp
import numpy as np

B, E, N, H = 16, 256, 127, 64
MAXN = N + 1
BOND_STARTS = jnp.array([0, 17, 26])
STRUCT_STARTS = jnp.array([0, 33])

def layer_norm(x, g, b, eps=1e-5):
    m = x.mean(axis=-1, keepdims=True)
    v = ((x - m) ** 2).mean(axis=-1, keepdims=True)
    return (x - m) / jnp.sqrt(v + eps) * g + b

def cate_embed(x, table, starts, g, b):
    idx = x + 1 + starts
    emb = jnp.take(table, idx, axis=0).sum(axis=-2)
    return layer_norm(emb, g, b)

def float_embed(x, W, bias, g, b):
    return layer_norm(x @ W + bias, g, b)

def setup_inputs(seed: int = 0):
    key = jax.random.key(seed)
    ks = jax.random.split(key, 24)
    inp = {}
    inp["bond_index"] = jax.random.randint(ks[0], (B, 2, E), 0, N).astype(jnp.int32)
    inp["bond_feat_cate"] = jax.random.randint(ks[1], (B, E, 3), 0, 8).astype(jnp.int32)
    inp["bond_feat_float"] = jax.random.normal(ks[2], (B, E, 4), dtype=jnp.float32)
    inp["bond_mask"] = jnp.ones((B, E), dtype=jnp.float32)
    inp["structure_feat_cate"] = jax.random.randint(ks[3], (B, N, N, 2), 0, 16).astype(jnp.int32)
    inp["structure_feat_float"] = jax.random.normal(ks[4], (B, N, N, 4), dtype=jnp.float32)
    inp["bond_cate_table"] = jax.random.normal(ks[5], (35, H), dtype=jnp.float32) * 0.02
    inp["bond_cate_ln_g"] = jnp.ones((H,), dtype=jnp.float32)
    inp["bond_cate_ln_b"] = jnp.zeros((H,), dtype=jnp.float32)
    inp["bond_float_W"] = jax.random.normal(ks[6], (4, H), dtype=jnp.float32) * 0.05
    inp["bond_float_b"] = jnp.zeros((H,), dtype=jnp.float32)
    inp["bond_float_ln_g"] = jnp.ones((H,), dtype=jnp.float32)
    inp["bond_float_ln_b"] = jnp.zeros((H,), dtype=jnp.float32)
    inp["struct_cate_table"] = jax.random.normal(ks[7], (50, H), dtype=jnp.float32) * 0.02
    inp["struct_cate_ln_g"] = jnp.ones((H,), dtype=jnp.float32)
    inp["struct_cate_ln_b"] = jnp.zeros((H,), dtype=jnp.float32)
    inp["struct_float_W"] = jax.random.normal(ks[8], (4, H), dtype=jnp.float32) * 0.05
    inp["struct_float_b"] = jnp.zeros((H,), dtype=jnp.float32)
    inp["struct_float_ln_g"] = jnp.ones((H,), dtype=jnp.float32)
    inp["struct_float_ln_b"] = jnp.zeros((H,), dtype=jnp.float32)
    inp["virtual_edge_emb"] = jax.random.normal(ks[9], (1, 1, H), dtype=jnp.float32)
    inp["rev_W"] = jax.random.normal(ks[10], (H, H), dtype=jnp.float32) * 0.05
    inp["rev_b"] = jnp.zeros((H,), dtype=jnp.float32)
    return inp

def reference(bond_index, bond_feat_cate, bond_feat_float, bond_mask, structure_feat_cate, structure_feat_float, bond_cate_table, bond_cate_ln_g, bond_cate_ln_b, bond_float_W, bond_float_b, bond_float_ln_g, bond_float_ln_b, struct_cate_table, struct_cate_ln_g, struct_cate_ln_b, struct_float_W, struct_float_b, struct_float_ln_g, struct_float_ln_b, virtual_edge_emb, rev_W, rev_b):
    hidden_bond = cate_embed(bond_feat_cate, bond_cate_table, BOND_STARTS, bond_cate_ln_g, bond_cate_ln_b)
    hidden_bond = hidden_bond + float_embed(bond_feat_float, bond_float_W, bond_float_b, bond_float_ln_g, bond_float_ln_b)
    hidden_bond = hidden_bond * bond_mask[..., None]
    hs = jnp.zeros((B, MAXN, MAXN, H), dtype=jnp.float32)
    ve = jnp.broadcast_to(virtual_edge_emb, (B, MAXN, H))
    hs = hs.at[:, 0, :, :].set(ve)
    hs = hs.at[:, :, 0, :].set(ve)
    struct = cate_embed(structure_feat_cate, struct_cate_table, STRUCT_STARTS, struct_cate_ln_g, struct_cate_ln_b) + float_embed(structure_feat_float, struct_float_W, struct_float_b, struct_float_ln_g, struct_float_ln_b)
    hs = hs.at[:, 1:, 1:, :].set(struct)
    bi = bond_index + 1
    br = jnp.broadcast_to(jnp.arange(B)[:, None], (B, E))
    hs = hs.at[br, bi[:, 0, :], bi[:, 1, :], :].add(hidden_bond)
    hs = hs.at[br, bi[:, 1, :], bi[:, 0, :], :].add(hidden_bond @ rev_W + rev_b)
    return hs

if __name__ == "__main__":
    import jax
    _d = setup_inputs()
    print(jax.jit(kernel)(*tuple(_d.values())))

</pallas_src>

<mosaic_0001>
#map = affine_map<(d0, d1) -> (0, 0)>
module attributes {stable_mosaic.version = 14 : i64} {
  func.func @new_body(%arg0: i32, %arg1: i32, %arg2: memref<131072x128xf32, #tpu.memory_space<hbm>>, %arg3: memref<64x128xi32, #tpu.memory_space<hbm>>, %arg4: memref<8192x128xf32, #tpu.memory_space<hbm>>, %arg5: memref<131072x128xf32, #tpu.memory_space<hbm>>, %arg6: memref<2x128xi32, #tpu.memory_space<vmem>>, %arg7: memref<256x128xf32, #tpu.memory_space<vmem>>, %arg8: memref<256x128xf32, #tpu.memory_space<vmem>>, %arg9: memref<!tpu.dma_semaphore, #tpu.memory_space<semaphore_mem>>) attributes {dimension_semantics = [#tpu.dimension_semantics<core_parallel>, #tpu.dimension_semantics<subcore_parallel>], iteration_bounds = array<i64: 2, 16>, scalar_prefetch = 0 : i64, scratch_operands = 4 : i64, tpu.core_type = #tpu.core_type<sc_vector_subcore>, window_params = [{transform_indices = #map}, {transform_indices = #map}, {transform_indices = #map}, {transform_indices = #map}]} {
    %mul3A = arith.constant 8 : i32
    %mul3A_0 = arith.muli %arg0, %mul3A : i32
    %jit3A = arith.constant 2 : i32
    %div3A = arith.divsi %arg1, %jit3A : i32
    %sign3A = arith.constant 0 : i32
    %sign3A_1 = arith.cmpi sgt, %arg1, %sign3A : i32
    %sign3A_2 = arith.extui %sign3A_1 : i1 to i32
    %sign3A_3 = arith.constant 0 : i32
    %sign3A_4 = arith.cmpi slt, %arg1, %sign3A_3 : i32
    %sign3A_5 = arith.extui %sign3A_4 : i1 to i32
    %sign3A_6 = arith.subi %sign3A_2, %sign3A_5 : i32
    %sign3A_7 = arith.constant 0 : i32
    %sign3A_8 = arith.cmpi sgt, %jit3A, %sign3A_7 : i32
    %sign3A_9 = arith.extui %sign3A_8 : i1 to i32
    %sign3A_10 = arith.constant 0 : i32
    %sign3A_11 = arith.cmpi slt, %jit3A, %sign3A_10 : i32
    %sign3A_12 = arith.extui %sign3A_11 : i1 to i32
    %sign3A_13 = arith.subi %sign3A_9, %sign3A_12 : i32
    %ne3A = arith.cmpi ne, %sign3A_6, %sign3A_13 : i32
    %rem3A = arith.remsi %arg1, %jit3A : i32
    %ne3A_14 = arith.constant 0 : i32
    %ne3A_15 = arith.cmpi ne, %rem3A, %ne3A_14 : i32
    %and3A = arith.andi %ne3A, %ne3A_15 : i1
    %sub3A = arith.constant 1 : i32
    %sub3A_16 = arith.subi %div3A, %sub3A : i32
    %select_n3A = arith.select %and3A, %sub3A_16, %div3A : i32
    %add3A = arith.addi %mul3A_0, %select_n3A : i32
    %rem3A_17 = arith.constant 2 : i32
    %rem3A_18 = arith.remsi %arg1, %rem3A_17 : i32
    %mul3A_19 = arith.constant 4 : i32
    %mul3A_20 = arith.muli %add3A, %mul3A_19 : i32
    %mul3A_21 = arith.constant 2 : i32
    %mul3A_22 = arith.muli %rem3A_18, %mul3A_21 : i32
    %add3A_23 = arith.addi %mul3A_20, %mul3A_22 : i32
    "tpu.region"() ({
      %run_scoped3A = tpu.sem_alloc : memref<!tpu.dma_semaphore, #tpu.memory_space<semaphore_mem>>
      %dma_start3A_113 = arith.constant 0 : i32
      %dma_start3A_114 = tpu.memref_slice %arg3[%add3A_23, %dma_start3A_113] : memref<64x128xi32, #tpu.memory_space<hbm>> -> memref<2x128xi32, #tpu.memory_space<hbm>>
      %dma_start3A_115 = arith.constant 0 : i32
      %dma_start3A_116 = tpu.memref_slice %arg3[%add3A_23, %dma_start3A_115] : memref<64x128xi32, #tpu.memory_space<hbm>> -> memref<2x128xi32, #tpu.memory_space<hbm>>
      tpu.enqueue_dma source(%dma_start3A_116 : memref<2x128xi32, #tpu.memory_space<hbm>>) target(%arg6 : memref<2x128xi32, #tpu.memory_space<vmem>>) target_semaphore(%run_scoped3A : memref<!tpu.dma_semaphore, #tpu.memory_space<semaphore_mem>>)
      %dma_wait3A_117 = arith.constant 0 : i32
      %dma_wait3A_118 = tpu.memref_slice %arg3[%add3A_23, %dma_wait3A_117] : memref<64x128xi32, #tpu.memory_space<hbm>> -> memref<2x128xi32, #tpu.memory_space<hbm>>
      %dma_wait3A_119 = arith.constant 0 : i32
      %dma_wait3A_120 = tpu.memref_slice %arg3[%add3A_23, %dma_wait3A_119] : memref<64x128xi32, #tpu.memory_space<hbm>> -> memref<2x128xi32, #tpu.memory_space<hbm>>
      tpu.wait_dma2 semaphore(%run_scoped3A : memref<!tpu.dma_semaphore, #tpu.memory_space<semaphore_mem>>) src(%dma_wait3A_120 : memref<2x128xi32, #tpu.memory_space<hbm>>) dst(%arg6 : memref<2x128xi32, #tpu.memory_space<vmem>>)
      tpu.yield
    }) : () -> ()
    %mul3A_24 = arith.constant 512 : i32
    %mul3A_25 = arith.muli %add3A, %mul3A_24 : i32
    %mul3A_26 = arith.constant 256 : i32
    %mul3A_27 = arith.muli %rem3A_18, %mul3A_26 : i32
    %add3A_28 = arith.addi %mul3A_25, %mul3A_27 : i32
    "tpu.region"() ({
      %run_scoped3A = tpu.sem_alloc : memref<!tpu.dma_semaphore, #tpu.memory_space<semaphore_mem>>
      %dma_start3A_113 = arith.constant 0 : i32
      %dma_start3A_114 = tpu.memref_slice %arg4[%add3A_28, %dma_start3A_113] : memref<8192x128xf32, #tpu.memory_space<hbm>> -> memref<256x128xf32, #tpu.memory_space<hbm>>
      %dma_start3A_115 = arith.constant 0 : i32
      %dma_start3A_116 = tpu.memref_slice %arg4[%add3A_28, %dma_start3A_115] : memref<8192x128xf32, #tpu.memory_space<hbm>> -> memref<256x128xf32, #tpu.memory_space<hbm>>
      tpu.enqueue_dma source(%dma_start3A_116 : memref<256x128xf32, #tpu.memory_space<hbm>>) target(%arg7 : memref<256x128xf32, #tpu.memory_space<vmem>>) target_semaphore(%run_scoped3A : memref<!tpu.dma_semaphore, #tpu.memory_space<semaphore_mem>>)
      %dma_wait3A_117 = arith.constant 0 : i32
      %dma_wait3A_118 = tpu.memref_slice %arg4[%add3A_28, %dma_wait3A_117] : memref<8192x128xf32, #tpu.memory_space<hbm>> -> memref<256x128xf32, #tpu.memory_space<hbm>>
      %dma_wait3A_119 = arith.constant 0 : i32
      %dma_wait3A_120 = tpu.memref_slice %arg4[%add3A_28, %dma_wait3A_119] : memref<8192x128xf32, #tpu.memory_space<hbm>> -> memref<256x128xf32, #tpu.memory_space<hbm>>
      tpu.wait_dma2 semaphore(%run_scoped3A : memref<!tpu.dma_semaphore, #tpu.memory_space<semaphore_mem>>) src(%dma_wait3A_120 : memref<256x128xf32, #tpu.memory_space<hbm>>) dst(%arg7 : memref<256x128xf32, #tpu.memory_space<vmem>>)
      tpu.yield
    }) : () -> ()
    %dma_start3A = arith.constant 0 : i32
    %dma_start3A_29 = arith.constant 0 : i32
    %dma_start3A_30 = arith.constant 0 : i32
    %dma_start3A_31 = tpu.memref_slice %arg8[%dma_start3A_29, %dma_start3A_30] : memref<256x128xf32, #tpu.memory_space<vmem>> -> memref<128x128xf32, #tpu.memory_space<vmem>>
    %dma_start3A_32 = arith.constant 0 : i32
    %dma_start3A_33 = tpu.memref_slice %arg6[%dma_start3A, %dma_start3A_32] : memref<2x128xi32, #tpu.memory_space<vmem>> -> memref<1x128xi32, #tpu.memory_space<vmem>>
    %dma_start3A_34 = tpu.memref_squeeze %dma_start3A_33 : memref<1x128xi32, #tpu.memory_space<vmem>> -> memref<128xi32, #tpu.memory_space<vmem>>
    %dma_start3A_35 = arith.constant 0 : i32
    %dma_start3A_36 = arith.constant 0 : i32
    %dma_start3A_37 = tpu.memref_slice %arg2[%dma_start3A_35, %dma_start3A_36] : memref<131072x128xf32, #tpu.memory_space<hbm>> -> memref<131072x128xf32, #tpu.memory_space<hbm>>
    tpu.enqueue_indirect_dma source(%dma_start3A_37 : memref<131072x128xf32, #tpu.memory_space<hbm>>) target(%dma_start3A_31 : memref<128x128xf32, #tpu.memory_space<vmem>>) offsets(%dma_start3A_34 : memref<128xi32, #tpu.memory_space<vmem>>) semaphore(%arg9 : memref<!tpu.dma_semaphore, #tpu.memory_space<semaphore_mem>>)
    %dma_start3A_38 = arith.constant 1 : i32
    %dma_start3A_39 = arith.constant 128 : i32
    %dma_start3A_40 = arith.constant 0 : i32
    %dma_start3A_41 = tpu.memref_slice %arg8[%dma_start3A_39, %dma_start3A_40] : memref<256x128xf32, #tpu.memory_space<vmem>> -> memref<128x128xf32, #tpu.memory_space<vmem>>
    %dma_start3A_42 = arith.constant 0 : i32
    %dma_start3A_43 = tpu.memref_slice %arg6[%dma_start3A_38, %dma_start3A_42] : memref<2x128xi32, #tpu.memory_space<vmem>> -> memref<1x128xi32, #tpu.memory_space<vmem>>
    %dma_start3A_44 = tpu.memref_squeeze %dma_start3A_43 : memref<1x128xi32, #tpu.memory_space<vmem>> -> memref<128xi32, #tpu.memory_space<vmem>>
    %dma_start3A_45 = arith.constant 0 : i32
    %dma_start3A_46 = arith.constant 0 : i32
    %dma_start3A_47 = tpu.memref_slice %arg2[%dma_start3A_45, %dma_start3A_46] : memref<131072x128xf32, #tpu.memory_space<hbm>> -> memref<131072x128xf32, #tpu.memory_space<hbm>>
    tpu.enqueue_indirect_dma source(%dma_start3A_47 : memref<131072x128xf32, #tpu.memory_space<hbm>>) target(%dma_start3A_41 : memref<128x128xf32, #tpu.memory_space<vmem>>) offsets(%dma_start3A_44 : memref<128xi32, #tpu.memory_space<vmem>>) semaphore(%arg9 : memref<!tpu.dma_semaphore, #tpu.memory_space<semaphore_mem>>)
    %dma_wait3A = arith.constant 0 : i32
    %dma_wait3A_48 = arith.constant 0 : i32
    %dma_wait3A_49 = arith.constant 0 : i32
    %dma_wait3A_50 = tpu.memref_slice %arg8[%dma_wait3A_48, %dma_wait3A_49] : memref<256x128xf32, #tpu.memory_space<vmem>> -> memref<128x128xf32, #tpu.memory_space<vmem>>
    %dma_wait3A_51 = arith.constant 0 : i32
    %dma_wait3A_52 = tpu.memref_slice %arg6[%dma_wait3A, %dma_wait3A_51] : memref<2x128xi32, #tpu.memory_space<vmem>> -> memref<1x128xi32, #tpu.memory_space<vmem>>
    %dma_wait3A_53 = tpu.memref_squeeze %dma_wait3A_52 : memref<1x128xi32, #tpu.memory_space<vmem>> -> memref<128xi32, #tpu.memory_space<vmem>>
    %dma_wait3A_54 = arith.constant 0 : i32
    %dma_wait3A_55 = arith.constant 0 : i32
    %dma_wait3A_56 = tpu.memref_slice %arg2[%dma_wait3A_54, %dma_wait3A_55] : memref<131072x128xf32, #tpu.memory_space<hbm>> -> memref<131072x128xf32, #tpu.memory_space<hbm>>
    tpu.wait_indirect_dma semaphore(%arg9 : memref<!tpu.dma_semaphore, #tpu.memory_space<semaphore_mem>>) src(%dma_wait3A_56 : memref<131072x128xf32, #tpu.memory_space<hbm>>) dst(%dma_wait3A_50 : memref<128x128xf32, #tpu.memory_space<vmem>>)
    %dma_wait3A_57 = arith.constant 1 : i32
    %dma_wait3A_58 = arith.constant 128 : i32
    %dma_wait3A_59 = arith.constant 0 : i32
    %dma_wait3A_60 = tpu.memref_slice %arg8[%dma_wait3A_58, %dma_wait3A_59] : memref<256x128xf32, #tpu.memory_space<vmem>> -> memref<128x128xf32, #tpu.memory_space<vmem>>
    %dma_wait3A_61 = arith.constant 0 : i32
    %dma_wait3A_62 = tpu.memref_slice %arg6[%dma_wait3A_57, %dma_wait3A_61] : memref<2x128xi32, #tpu.memory_space<vmem>> -> memref<1x128xi32, #tpu.memory_space<vmem>>
    %dma_wait3A_63 = tpu.memref_squeeze %dma_wait3A_62 : memref<1x128xi32, #tpu.memory_space<vmem>> -> memref<128xi32, #tpu.memory_space<vmem>>
    %dma_wait3A_64 = arith.constant 0 : i32
    %dma_wait3A_65 = arith.constant 0 : i32
    %dma_wait3A_66 = tpu.memref_slice %arg2[%dma_wait3A_64, %dma_wait3A_65] : memref<131072x128xf32, #tpu.memory_space<hbm>> -> memref<131072x128xf32, #tpu.memory_space<hbm>>
    tpu.wait_indirect_dma semaphore(%arg9 : memref<!tpu.dma_semaphore, #tpu.memory_space<semaphore_mem>>) src(%dma_wait3A_66 : memref<131072x128xf32, #tpu.memory_space<hbm>>) dst(%dma_wait3A_60 : memref<128x128xf32, #tpu.memory_space<vmem>>)
    %scan3A = arith.constant 0 : i32
    %scan3A_67 = arith.constant 0 : i32
    %scan3A_68 = arith.constant 256 : i32
    %scan3A_69 = arith.addi %scan3A_67, %scan3A_68 : i32
    %scan3A_70 = arith.constant 1 : i32
    %scan3A_71 = scf.for %scan3A_113 = %scan3A_67 to %scan3A_69 step %scan3A_70 iter_args(%scan3A_114 = %scan3A) -> (i32)  : i32 {
      %get3A = arith.index_cast %scan3A_113 : i32 to index
      %get3A_115 = arith.constant 0 : index
      %get3A_116 = tpu.vector_load %arg8[%get3A, %get3A_115] {strides = array<i32>} : memref<256x128xf32, #tpu.memory_space<vmem>>, vector<1x16xf32>,
      %get3A_117 = vector.shape_cast %get3A_116 : vector<1x16xf32> to vector<16xf32>
      %get3A_118 = arith.index_cast %scan3A_113 : i32 to index
      %get3A_119 = arith.constant 0 : index
      %get3A_120 = tpu.vector_load %arg7[%get3A_118, %get3A_119] {strides = array<i32>} : memref<256x128xf32, #tpu.memory_space<vmem>>, vector<1x16xf32>,
      %get3A_121 = vector.shape_cast %get3A_120 : vector<1x16xf32> to vector<16xf32>
      %add3A_122 = arith.addf %get3A_117, %get3A_121 : vector<16xf32>
      %swap3A = arith.index_cast %scan3A_113 : i32 to index
      %swap3A_123 = arith.constant 0 : index
      %swap3A_124 = tpu.vector_load %arg8[%swap3A, %swap3A_123] {strides = array<i32>} : memref<256x128xf32, #tpu.memory_space<vmem>>, vector<1x16xf32>,
      %swap3A_125 = vector.shape_cast %swap3A_124 : vector<1x16xf32> to vector<16xf32>
      %swap3A_126 = vector.shape_cast %add3A_122 : vector<16xf32> to vector<1x16xf32>
      tpu.vector_store %arg8[%swap3A, %swap3A_123], %swap3A_126 {strides = array<i32>} : memref<256x128xf32, #tpu.memory_space<vmem>>, vector<1x16xf32>,
      %get3A_127 = arith.index_cast %scan3A_113 : i32 to index
      %get3A_128 = arith.constant 16 : index
      %get3A_129 = tpu.vector_load %arg8[%get3A_127, %get3A_128] {strides = array<i32>} : memref<256x128xf32, #tpu.memory_space<vmem>>, vector<1x16xf32>,
      %get3A_130 = vector.shape_cast %get3A_129 : vector<1x16xf32> to vector<16xf32>
      %get3A_131 = arith.index_cast %scan3A_113 : i32 to index
      %get3A_132 = arith.constant 16 : index
      %get3A_133 = tpu.vector_load %arg7[%get3A_131, %get3A_132] {strides = array<i32>} : memref<256x128xf32, #tpu.memory_space<vmem>>, vector<1x16xf32>,
      %get3A_134 = vector.shape_cast %get3A_133 : vector<1x16xf32> to vector<16xf32>
      %add3A_135 = arith.addf %get3A_130, %get3A_134 : vector<16xf32>
      %swap3A_136 = arith.index_cast %scan3A_113 : i32 to index
      %swap3A_137 = arith.constant 16 : index
      %swap3A_138 = tpu.vector_load %arg8[%swap3A_136, %swap3A_137] {strides = array<i32>} : memref<256x128xf32, #tpu.memory_space<vmem>>, vector<1x16xf32>,
      %swap3A_139 = vector.shape_cast %swap3A_138 : vector<1x16xf32> to vector<16xf32>
      %swap3A_140 = vector.shape_cast %add3A_135 : vector<16xf32> to vector<1x16xf32>
      tpu.vector_store %arg8[%swap3A_136, %swap3A_137], %swap3A_140 {strides = array<i32>} : memref<256x128xf32, #tpu.memory_space<vmem>>, vector<1x16xf32>,
      %get3A_141 = arith.index_cast %scan3A_113 : i32 to index
      %get3A_142 = arith.constant 32 : index
      %get3A_143 = tpu.vector_load %arg8[%get3A_141, %get3A_142] {strides = array<i32>} : memref<256x128xf32, #tpu.memory_space<vmem>>, vector<1x16xf32>,
      %get3A_144 = vector.shape_cast %get3A_143 : vector<1x16xf32> to vector<16xf32>
      %get3A_145 = arith.index_cast %scan3A_113 : i32 to index
      %get3A_146 = arith.constant 32 : index
      %get3A_147 = tpu.vector_load %arg7[%get3A_145, %get3A_146] {strides = array<i32>} : memref<256x128xf32, #tpu.memory_space<vmem>>, vector<1x16xf32>,
      %get3A_148 = vector.shape_cast %get3A_147 : vector<1x16xf32> to vector<16xf32>
      %add3A_149 = arith.addf %get3A_144, %get3A_148 : vector<16xf32>
      %swap3A_150 = arith.index_cast %scan3A_113 : i32 to index
      %swap3A_151 = arith.constant 32 : index
      %swap3A_152 = tpu.vector_load %arg8[%swap3A_150, %swap3A_151] {strides = array<i32>} : memref<256x128xf32, #tpu.memory_space<vmem>>, vector<1x16xf32>,
      %swap3A_153 = vector.shape_cast %swap3A_152 : vector<1x16xf32> to vector<16xf32>
      %swap3A_154 = vector.shape_cast %add3A_149 : vector<16xf32> to vector<1x16xf32>
      tpu.vector_store %arg8[%swap3A_150, %swap3A_151], %swap3A_154 {strides = array<i32>} : memref<256x128xf32, #tpu.memory_space<vmem>>, vector<1x16xf32>,
      %get3A_155 = arith.index_cast %scan3A_113 : i32 to index
      %get3A_156 = arith.constant 48 : index
      %get3A_157 = tpu.vector_load %arg8[%get3A_155, %get3A_156] {strides = array<i32>} : memref<256x128xf32, #tpu.memory_space<vmem>>, vector<1x16xf32>,
      %get3A_158 = vector.shape_cast %get3A_157 : vector<1x16xf32> to vector<16xf32>
      %get3A_159 = arith.index_cast %scan3A_113 : i32 to index
      %get3A_160 = arith.constant 48 : index
      %get3A_161 = tpu.vector_load %arg7[%get3A_159, %get3A_160] {strides = array<i32>} : memref<256x128xf32, #tpu.memory_space<vmem>>, vector<1x16xf32>,
      %get3A_162 = vector.shape_cast %get3A_161 : vector<1x16xf32> to vector<16xf32>
      %add3A_163 = arith.addf %get3A_158, %get3A_162 : vector<16xf32>
      %swap3A_164 = arith.index_cast %scan3A_113 : i32 to index
      %swap3A_165 = arith.constant 48 : index
      %swap3A_166 = tpu.vector_load %arg8[%swap3A_164, %swap3A_165] {strides = array<i32>} : memref<256x128xf32, #tpu.memory_space<vmem>>, vector<1x16xf32>,
      %swap3A_167 = vector.shape_cast %swap3A_166 : vector<1x16xf32> to vector<16xf32>
      %swap3A_168 = vector.shape_cast %add3A_163 : vector<16xf32> to vector<1x16xf32>
      tpu.vector_store %arg8[%swap3A_164, %swap3A_165], %swap3A_168 {strides = array<i32>} : memref<256x128xf32, #tpu.memory_space<vmem>>, vector<1x16xf32>,
      %get3A_169 = arith.index_cast %scan3A_113 : i32 to index
      %get3A_170 = arith.constant 64 : index
      %get3A_171 = tpu.vector_load %arg8[%get3A_169, %get3A_170] {strides = array<i32>} : memref<256x128xf32, #tpu.memory_space<vmem>>, vector<1x16xf32>,
      %get3A_172 = vector.shape_cast %get3A_171 : vector<1x16xf32> to vector<16xf32>
      %get3A_173 = arith.index_cast %scan3A_113 : i32 to index
      %get3A_174 = arith.constant 64 : index
      %get3A_175 = tpu.vector_load %arg7[%get3A_173, %get3A_174] {strides = array<i32>} : memref<256x128xf32, #tpu.memory_space<vmem>>, vector<1x16xf32>,
      %get3A_176 = vector.shape_cast %get3A_175 : vector<1x16xf32> to vector<16xf32>
      %add3A_177 = arith.addf %get3A_172, %get3A_176 : vector<16xf32>
      %swap3A_178 = arith.index_cast %scan3A_113 : i32 to index
      %swap3A_179 = arith.constant 64 : index
      %swap3A_180 = tpu.vector_load %arg8[%swap3A_178, %swap3A_179] {strides = array<i32>} : memref<256x128xf32, #tpu.memory_space<vmem>>, vector<1x16xf32>,
      %swap3A_181 = vector.shape_cast %swap3A_180 : vector<1x16xf32> to vector<16xf32>
      %swap3A_182 = vector.shape_cast %add3A_177 : vector<16xf32> to vector<1x16xf32>
      tpu.vector_store %arg8[%swap3A_178, %swap3A_179], %swap3A_182 {strides = array<i32>} : memref<256x128xf32, #tpu.memory_space<vmem>>, vector<1x16xf32>,
      %get3A_183 = arith.index_cast %scan3A_113 : i32 to index
      %get3A_184 = arith.constant 80 : index
      %get3A_185 = tpu.vector_load %arg8[%get3A_183, %get3A_184] {strides = array<i32>} : memref<256x128xf32, #tpu.memory_space<vmem>>, vector<1x16xf32>,
      %get3A_186 = vector.shape_cast %get3A_185 : vector<1x16xf32> to vector<16xf32>
      %get3A_187 = arith.index_cast %scan3A_113 : i32 to index
      %get3A_188 = arith.constant 80 : index
      %get3A_189 = tpu.vector_load %arg7[%get3A_187, %get3A_188] {strides = array<i32>} : memref<256x128xf32, #tpu.memory_space<vmem>>, vector<1x16xf32>,
      %get3A_190 = vector.shape_cast %get3A_189 : vector<1x16xf32> to vector<16xf32>
      %add3A_191 = arith.addf %get3A_186, %get3A_190 : vector<16xf32>
      %swap3A_192 = arith.index_cast %scan3A_113 : i32 to index
      %swap3A_193 = arith.constant 80 : index
      %swap3A_194 = tpu.vector_load %arg8[%swap3A_192, %swap3A_193] {strides = array<i32>} : memref<256x128xf32, #tpu.memory_space<vmem>>, vector<1x16xf32>,
      %swap3A_195 = vector.shape_cast %swap3A_194 : vector<1x16xf32> to vector<16xf32>
      %swap3A_196 = vector.shape_cast %add3A_191 : vector<16xf32> to vector<1x16xf32>
      tpu.vector_store %arg8[%swap3A_192, %swap3A_193], %swap3A_196 {strides = array<i32>} : memref<256x128xf32, #tpu.memory_space<vmem>>, vector<1x16xf32>,
      %get3A_197 = arith.index_cast %scan3A_113 : i32 to index
      %get3A_198 = arith.constant 96 : index
      %get3A_199 = tpu.vector_load %arg8[%get3A_197, %get3A_198] {strides = array<i32>} : memref<256x128xf32, #tpu.memory_space<vmem>>, vector<1x16xf32>,
      %get3A_200 = vector.shape_cast %get3A_199 : vector<1x16xf32> to vector<16xf32>
      %get3A_201 = arith.index_cast %scan3A_113 : i32 to index
      %get3A_202 = arith.constant 96 : index
      %get3A_203 = tpu.vector_load %arg7[%get3A_201, %get3A_202] {strides = array<i32>} : memref<256x128xf32, #tpu.memory_space<vmem>>, vector<1x16xf32>,
      %get3A_204 = vector.shape_cast %get3A_203 : vector<1x16xf32> to vector<16xf32>
      %add3A_205 = arith.addf %get3A_200, %get3A_204 : vector<16xf32>
      %swap3A_206 = arith.index_cast %scan3A_113 : i32 to index
      %swap3A_207 = arith.constant 96 : index
      %swap3A_208 = tpu.vector_load %arg8[%swap3A_206, %swap3A_207] {strides = array<i32>} : memref<256x128xf32, #tpu.memory_space<vmem>>, vector<1x16xf32>,
      %swap3A_209 = vector.shape_cast %swap3A_208 : vector<1x16xf32> to vector<16xf32>
      %swap3A_210 = vector.shape_cast %add3A_205 : vector<16xf32> to vector<1x16xf32>
      tpu.vector_store %arg8[%swap3A_206, %swap3A_207], %swap3A_210 {strides = array<i32>} : memref<256x128xf32, #tpu.memory_space<vmem>>, vector<1x16xf32>,
      %get3A_211 = arith.index_cast %scan3A_113 : i32 to index
      %get3A_212 = arith.constant 112 : index
      %get3A_213 = tpu.vector_load %arg8[%get3A_211, %get3A_212] {strides = array<i32>} : memref<256x128xf32, #tpu.memory_space<vmem>>, vector<1x16xf32>,
      %get3A_214 = vector.shape_cast %get3A_213 : vector<1x16xf32> to vector<16xf32>
      %get3A_215 = arith.index_cast %scan3A_113 : i32 to index
      %get3A_216 = arith.constant 112 : index
      %get3A_217 = tpu.vector_load %arg7[%get3A_215, %get3A_216] {strides = array<i32>} : memref<256x128xf32, #tpu.memory_space<vmem>>, vector<1x16xf32>,
      %get3A_218 = vector.shape_cast %get3A_217 : vector<1x16xf32> to vector<16xf32>
      %add3A_219 = arith.addf %get3A_214, %get3A_218 : vector<16xf32>
      %swap3A_220 = arith.index_cast %scan3A_113 : i32 to index
      %swap3A_221 = arith.constant 112 : index
      %swap3A_222 = tpu.vector_load %arg8[%swap3A_220, %swap3A_221] {strides = array<i32>} : memref<256x128xf32, #tpu.memory_space<vmem>>, vector<1x16xf32>,
      %swap3A_223 = vector.shape_cast %swap3A_222 : vector<1x16xf32> to vector<16xf32>
      %swap3A_224 = vector.shape_cast %add3A_219 : vector<16xf32> to vector<1x16xf32>
      tpu.vector_store %arg8[%swap3A_220, %swap3A_221], %swap3A_224 {strides = array<i32>} : memref<256x128xf32, #tpu.memory_space<vmem>>, vector<1x16xf32>,
      %scan3A_225 = arith.constant 0 : i32
      scf.yield %scan3A_225 : i32
    }
    %scan3A_72 = arith.constant 256 : i32
    %barrier3A = arith.constant 0 : index
    tpu.barrier barrier_id(%barrier3A)
    %dma_start3A_73 = arith.constant 0 : i32
    %dma_start3A_74 = arith.constant 0 : i32
    %dma_start3A_75 = arith.constant 0 : i32
    %dma_start3A_76 = tpu.memref_slice %arg8[%dma_start3A_74, %dma_start3A_75] : memref<256x128xf32, #tpu.memory_space<vmem>> -> memref<128x128xf32, #tpu.memory_space<vmem>>
    %dma_start3A_77 = arith.constant 0 : i32
    %dma_start3A_78 = tpu.memref_slice %arg6[%dma_start3A_73, %dma_start3A_77] : memref<2x128xi32, #tpu.memory_space<vmem>> -> memref<1x128xi32, #tpu.memory_space<vmem>>
    %dma_start3A_79 = tpu.memref_squeeze %dma_start3A_78 : memref<1x128xi32, #tpu.memory_space<vmem>> -> memref<128xi32, #tpu.memory_space<vmem>>
    %dma_start3A_80 = arith.constant 0 : i32
    %dma_start3A_81 = arith.constant 0 : i32
    %dma_start3A_82 = tpu.memref_slice %arg2[%dma_start3A_80, %dma_start3A_81] : memref<131072x128xf32, #tpu.memory_space<hbm>> -> memref<131072x128xf32, #tpu.memory_space<hbm>>
    tpu.enqueue_indirect_dma source(%dma_start3A_76 : memref<128x128xf32, #tpu.memory_space<vmem>>) target(%dma_start3A_82 : memref<131072x128xf32, #tpu.memory_space<hbm>>) offsets(%dma_start3A_79 : memref<128xi32, #tpu.memory_space<vmem>>) semaphore(%arg9 : memref<!tpu.dma_semaphore, #tpu.memory_space<semaphore_mem>>)
    %dma_start3A_83 = arith.constant 1 : i32
    %dma_start3A_84 = arith.constant 128 : i32
    %dma_start3A_85 = arith.constant 0 : i32
    %dma_start3A_86 = tpu.memref_slice %arg8[%dma_start3A_84, %dma_start3A_85] : memref<256x128xf32, #tpu.memory_space<vmem>> -> memref<128x128xf32, #tpu.memory_space<vmem>>
    %dma_start3A_87 = arith.constant 0 : i32
    %dma_start3A_88 = tpu.memref_slice %arg6[%dma_start3A_83, %dma_start3A_87] : memref<2x128xi32, #tpu.memory_space<vmem>> -> memref<1x128xi32, #tpu.memory_space<vmem>>
    %dma_start3A_89 = tpu.memref_squeeze %dma_start3A_88 : memref<1x128xi32, #tpu.memory_space<vmem>> -> memref<128xi32, #tpu.memory_space<vmem>>
    %dma_start3A_90 = arith.constant 0 : i32
    %dma_start3A_91 = arith.constant 0 : i32
    %dma_start3A_92 = tpu.memref_slice %arg2[%dma_start3A_90, %dma_start3A_91] : memref<131072x128xf32, #tpu.memory_space<hbm>> -> memref<131072x128xf32, #tpu.memory_space<hbm>>
    tpu.enqueue_indirect_dma source(%dma_start3A_86 : memref<128x128xf32, #tpu.memory_space<vmem>>) target(%dma_start3A_92 : memref<131072x128xf32, #tpu.memory_space<hbm>>) offsets(%dma_start3A_89 : memref<128xi32, #tpu.memory_space<vmem>>) semaphore(%arg9 : memref<!tpu.dma_semaphore, #tpu.memory_space<semaphore_mem>>)
    %dma_wait3A_93 = arith.constant 0 : i32
    %dma_wait3A_94 = arith.constant 0 : i32
    %dma_wait3A_95 = arith.constant 0 : i32
    %dma_wait3A_96 = tpu.memref_slice %arg8[%dma_wait3A_94, %dma_wait3A_95] : memref<256x128xf32, #tpu.memory_space<vmem>> -> memref<128x128xf32, #tpu.memory_space<vmem>>
    %dma_wait3A_97 = arith.constant 0 : i32
    %dma_wait3A_98 = tpu.memref_slice %arg6[%dma_wait3A_93, %dma_wait3A_97] : memref<2x128xi32, #tpu.memory_space<vmem>> -> memref<1x128xi32, #tpu.memory_space<vmem>>
    %dma_wait3A_99 = tpu.memref_squeeze %dma_wait3A_98 : memref<1x128xi32, #tpu.memory_space<vmem>> -> memref<128xi32, #tpu.memory_space<vmem>>
    %dma_wait3A_100 = arith.constant 0 : i32
    %dma_wait3A_101 = arith.constant 0 : i32
    %dma_wait3A_102 = tpu.memref_slice %arg2[%dma_wait3A_100, %dma_wait3A_101] : memref<131072x128xf32, #tpu.memory_space<hbm>> -> memref<131072x128xf32, #tpu.memory_space<hbm>>
    tpu.wait_indirect_dma semaphore(%arg9 : memref<!tpu.dma_semaphore, #tpu.memory_space<semaphore_mem>>) src(%dma_wait3A_96 : memref<128x128xf32, #tpu.memory_space<vmem>>) dst(%dma_wait3A_102 : memref<131072x128xf32, #tpu.memory_space<hbm>>)
    %dma_wait3A_103 = arith.constant 1 : i32
    %dma_wait3A_104 = arith.constant 128 : i32
    %dma_wait3A_105 = arith.constant 0 : i32
    %dma_wait3A_106 = tpu.memref_slice %arg8[%dma_wait3A_104, %dma_wait3A_105] : memref<256x128xf32, #tpu.memory_space<vmem>> -> memref<128x128xf32, #tpu.memory_space<vmem>>
    %dma_wait3A_107 = arith.constant 0 : i32
    %dma_wait3A_108 = tpu.memref_slice %arg6[%dma_wait3A_103, %dma_wait3A_107] : memref<2x128xi32, #tpu.memory_space<vmem>> -> memref<1x128xi32, #tpu.memory_space<vmem>>
    %dma_wait3A_109 = tpu.memref_squeeze %dma_wait3A_108 : memref<1x128xi32, #tpu.memory_space<vmem>> -> memref<128xi32, #tpu.memory_space<vmem>>
    %dma_wait3A_110 = arith.constant 0 : i32
    %dma_wait3A_111 = arith.constant 0 : i32
    %dma_wait3A_112 = tpu.memref_slice %arg2[%dma_wait3A_110, %dma_wait3A_111] : memref<131072x128xf32, #tpu.memory_space<hbm>> -> memref<131072x128xf32, #tpu.memory_space<hbm>>
    tpu.wait_indirect_dma semaphore(%arg9 : memref<!tpu.dma_semaphore, #tpu.memory_space<semaphore_mem>>) src(%dma_wait3A_106 : memref<128x128xf32, #tpu.memory_space<vmem>>) dst(%dma_wait3A_112 : memref<131072x128xf32, #tpu.memory_space<hbm>>)
    return
  }
}

module attributes {stable_mosaic.version = 14 : i64} {
  func.func @_dense_body(%arg0: i32, %arg1: memref<1x4x8192xi32, #tpu.memory_space<vmem>>, %arg2: memref<1x8x8192xf32, #tpu.memory_space<vmem>>, %arg3: memref<1x256x3xi32, #tpu.memory_space<vmem>>, %arg4: memref<1x256x4xf32, #tpu.memory_space<vmem>>, %arg5: memref<1x256x1xf32, #tpu.memory_space<vmem>>, %arg6: memref<1x2x2x128xi32, #tpu.memory_space<vmem>>, %arg7: memref<1x512x2xi32, #tpu.memory_space<vmem>>, %arg8: memref<1x2x512xi32, #tpu.memory_space<vmem>>, %arg9: memref<35x64xbf16, #tpu.memory_space<vmem>>, %arg10: memref<35x64xbf16, #tpu.memory_space<vmem>>, %arg11: memref<1x64xf32, #tpu.memory_space<vmem>>, %arg12: memref<1x64xf32, #tpu.memory_space<vmem>>, %arg13: memref<4x64xf32, #tpu.memory_space<vmem>>, %arg14: memref<1x64xf32, #tpu.memory_space<vmem>>, %arg15: memref<1x64xf32, #tpu.memory_space<vmem>>, %arg16: memref<1x64xf32, #tpu.memory_space<vmem>>, %arg17: memref<50x64xf32, #tpu.memory_space<vmem>>, %arg18: memref<1x64xf32, #tpu.memory_space<vmem>>, %arg19: memref<1x64xf32, #tpu.memory_space<vmem>>, %arg20: memref<4x64xf32, #tpu.memory_space<vmem>>, %arg21: memref<1x64xf32, #tpu.memory_space<vmem>>, %arg22: memref<1x64xf32, #tpu.memory_space<vmem>>, %arg23: memref<1x64xf32, #tpu.memory_space<vmem>>, %arg24: memref<1x64xf32, #tpu.memory_space<vmem>>, %arg25: memref<64x64xf32, #tpu.memory_space<vmem>>, %arg26: memref<1x64xf32, #tpu.memory_space<vmem>>, %arg27: memref<1x8192x128xf32, #tpu.memory_space<vmem>>, %arg28: memref<1x512x128xf32, #tpu.memory_space<vmem>>, %arg29: memref<1x4x128xi32, #tpu.memory_space<vmem>>) attributes {dimension_semantics = [#tpu.dimension_semantics<arbitrary>], iteration_bounds = array<i64: 16>, scalar_prefetch = 0 : i64, scratch_operands = 0 : i64, tpu.core_type = #tpu.core_type<tc>, window_params = [{transform_indices = @transform_0, window_bounds = array<i64: 1, 4, 8192>}, {transform_indices = @transform_1, window_bounds = array<i64: 1, 8, 8192>}, {transform_indices = @transform_2, window_bounds = array<i64: 1, 256, 3>}, {transform_indices = @transform_3, window_bounds = array<i64: 1, 256, 4>}, {transform_indices = @transform_4, window_bounds = array<i64: 1, 256, 1>}, {transform_indices = @transform_5, window_bounds = array<i64: 1, 2, 2, 128>}, {transform_indices = @transform_6, window_bounds = array<i64: 1, 512, 2>}, {transform_indices = @transform_7, window_bounds = array<i64: 1, 2, 512>}, {pipeline_mode = #tpu.pipeline_mode<synchronous>, transform_indices = @transform_8, window_bounds = array<i64: 35, 64>}, {pipeline_mode = #tpu.pipeline_mode<synchronous>, transform_indices = @transform_9, window_bounds = array<i64: 35, 64>}, {pipeline_mode = #tpu.pipeline_mode<synchronous>, transform_indices = @transform_10, window_bounds = array<i64: 1, 64>}, {pipeline_mode = #tpu.pipeline_mode<synchronous>, transform_indices = @transform_11, window_bounds = array<i64: 1, 64>}, {pipeline_mode = #tpu.pipeline_mode<synchronous>, transform_indices = @transform_12, window_bounds = array<i64: 4, 64>}, {pipeline_mode = #tpu.pipeline_mode<synchronous>, transform_indices = @transform_13, window_bounds = array<i64: 1, 64>}, {pipeline_mode = #tpu.pipeline_mode<synchronous>, transform_indices = @transform_14, window_bounds = array<i64: 1, 64>}, {pipeline_mode = #tpu.pipeline_mode<synchronous>, transform_indices = @transform_15, window_bounds = array<i64: 1, 64>}, {pipeline_mode = #tpu.pipeline_mode<synchronous>, transform_indices = @transform_16, window_bounds = array<i64: 50, 64>}, {pipeline_mode = #tpu.pipeline_mode<synchronous>, transform_indices = @transform_17, window_bounds = array<i64: 1, 64>}, {pipeline_mode = #tpu.pipeline_mode<synchronous>, transform_indices = @transform_18, window_bounds = array<i64: 1, 64>}, {pipeline_mode = #tpu.pipeline_mode<synchronous>, transform_indices = @transform_19, window_bounds = array<i64: 4, 64>}, {pipeline_mode = #tpu.pipeline_mode<synchronous>, transform_indices = @transform_20, window_bounds = array<i64: 1, 64>}, {pipeline_mode = #tpu.pipeline_mode<synchronous>, transform_indices = @transform_21, window_bounds = array<i64: 1, 64>}, {pipeline_mode = #tpu.pipeline_mode<synchronous>, transform_indices = @transform_22, window_bounds = array<i64: 1, 64>}, {pipeline_mode = #tpu.pipeline_mode<synchronous>, transform_indices = @transform_23, window_bounds = array<i64: 1, 64>}, {pipeline_mode = #tpu.pipeline_mode<synchronous>, transform_indices = @transform_24, window_bounds = array<i64: 64, 64>}, {pipeline_mode = #tpu.pipeline_mode<synchronous>, transform_indices = @transform_25, window_bounds = array<i64: 1, 64>}, {transform_indices = @transform_26, window_bounds = array<i64: 1, 8192, 128>}, {transform_indices = @transform_27, window_bounds = array<i64: 1, 512, 128>}, {transform_indices = @transform_28, window_bounds = array<i64: 1, 4, 128>}]} {
    %get3A = arith.constant 0 : index
    %get3A_0 = arith.constant 0 : index
    %get3A_1 = vector.load %arg20[%get3A, %get3A_0] : memref<4x64xf32, #tpu.memory_space<vmem>>, vector<4x64xf32>
    %get3A_2 = arith.constant 0 : index
    %get3A_3 = arith.constant 0 : index
    %get3A_4 = vector.load %arg21[%get3A_2, %get3A_3] : memref<1x64xf32, #tpu.memory_space<vmem>>, vector<1x64xf32>
    %get3A_5 = arith.constant 0 : index
    %get3A_6 = arith.constant 0 : index
    %get3A_7 = vector.load %arg22[%get3A_5, %get3A_6] : memref<1x64xf32, #tpu.memory_space<vmem>>, vector<1x64xf32>
    %get3A_8 = arith.constant 0 : index
    %get3A_9 = arith.constant 0 : index
    %get3A_10 = vector.load %arg23[%get3A_8, %get3A_9] : memref<1x64xf32, #tpu.memory_space<vmem>>, vector<1x64xf32>
    %get3A_11 = arith.constant 0 : index
    %get3A_12 = arith.constant 0 : index
    %get3A_13 = vector.load %arg24[%get3A_11, %get3A_12] : memref<1x64xf32, #tpu.memory_space<vmem>>, vector<1x64xf32>
    %get3A_14 = arith.constant 0 : index
    %get3A_15 = arith.constant 0 : index
    %get3A_16 = vector.load %arg17[%get3A_14, %get3A_15] : memref<50x64xf32, #tpu.memory_space<vmem>>, vector<50x64xf32>
    %get3A_17 = arith.constant 0 : index
    %get3A_18 = arith.constant 0 : index
    %get3A_19 = vector.load %arg18[%get3A_17, %get3A_18] : memref<1x64xf32, #tpu.memory_space<vmem>>, vector<1x64xf32>
    %get3A_20 = arith.constant 0 : index
    %get3A_21 = arith.constant 0 : index
    %get3A_22 = vector.load %arg19[%get3A_20, %get3A_21] : memref<1x64xf32, #tpu.memory_space<vmem>>, vector<1x64xf32>
    %iota3A = tpu.iota {dimensions = array<i32: 0>} : vector<256x1xi32>
    %iota3A_23 = tpu.iota {dimensions = array<i32: 1>} : vector<256x16xi32>
    %jit3A = arith.constant 16 : i32
    %div3A = vector.broadcast %jit3A : i32 to vector<256x1xi32>
    %div3A_24 = arith.divsi %iota3A, %div3A : vector<256x1xi32>
    %sign3A = arith.constant 0 : i32
    %sign3A_25 = vector.broadcast %sign3A : i32 to vector<256x1xi32>
    %sign3A_26 = arith.cmpi sgt, %iota3A, %sign3A_25 : vector<256x1xi32>
    %sign3A_27 = arith.extui %sign3A_26 : vector<256x1xi1> to vector<256x1xi32>
    %sign3A_28 = arith.constant 0 : i32
    %sign3A_29 = vector.broadcast %sign3A_28 : i32 to vector<256x1xi32>
    %sign3A_30 = arith.cmpi slt, %iota3A, %sign3A_29 : vector<256x1xi32>
    %sign3A_31 = arith.extui %sign3A_30 : vector<256x1xi1> to vector<256x1xi32>
    %sign3A_32 = arith.subi %sign3A_27, %sign3A_31 : vector<256x1xi32>
    %sign3A_33 = arith.constant 0 : i32
    %sign3A_34 = arith.cmpi sgt, %jit3A, %sign3A_33 : i32
    %sign3A_35 = arith.extui %sign3A_34 : i1 to i32
    %sign3A_36 = arith.constant 0 : i32
    %sign3A_37 = arith.cmpi slt, %jit3A, %sign3A_36 : i32
    %sign3A_38 = arith.extui %sign3A_37 : i1 to i32
    %sign3A_39 = arith.subi %sign3A_35, %sign3A_38 : i32
    %ne3A = vector.broadcast %sign3A_39 : i32 to vector<256x1xi32>
    %ne3A_40 = arith.cmpi ne, %sign3A_32, %ne3A : vector<256x1xi32>
    %rem3A = vector.broadcast %jit3A : i32 to vector<256x1xi32>
    %rem3A_41 = arith.remsi %iota3A, %rem3A : vector<256x1xi32>
    %ne3A_42 = arith.constant 0 : i32
    %ne3A_43 = vector.broadcast %ne3A_42 : i32 to vector<256x1xi32>
    %ne3A_44 = arith.cmpi ne, %rem3A_41, %ne3A_43 : vector<256x1xi32>
    %and3A = arith.andi %ne3A_40, %ne3A_44 : vector<256x1xi1>
    %sub3A = arith.constant 1 : i32
    %sub3A_45 = vector.broadcast %sub3A : i32 to vector<256x1xi32>
    %sub3A_46 = arith.subi %div3A_24, %sub3A_45 : vector<256x1xi32>
    %select_n3A = arith.select %and3A, %sub3A_46, %div3A_24 : vector<256x1xi1>, vector<256x1xi32>
    %eq3A = vector.broadcast %select_n3A : vector<256x1xi32> to vector<256x16xi32>
    %eq3A_47 = arith.cmpi eq, %iota3A_23, %eq3A : vector<256x16xi32>
    %convert_element_type3A = arith.extui %eq3A_47 : vector<256x16xi1> to vector<256x16xi32>
    %convert_element_type3A_48 = arith.sitofp %convert_element_type3A : vector<256x16xi32> to vector<256x16xf32>
    %jit3A_49 = arith.constant 16 : i32
    %eq3A_50 = arith.constant 0 : i32
    %eq3A_51 = arith.cmpi eq, %jit3A_49, %eq3A_50 : i32
    %jit3A_52 = arith.constant 1 : i32
    %select_n3A_53 = arith.select %eq3A_51, %jit3A_52, %jit3A_49 : i32
    %rem3A_54 = vector.broadcast %select_n3A_53 : i32 to vector<256x1xi32>
    %rem3A_55 = arith.remsi %iota3A, %rem3A_54 : vector<256x1xi32>
    %ne3A_56 = arith.constant 0 : i32
    %ne3A_57 = vector.broadcast %ne3A_56 : i32 to vector<256x1xi32>
    %ne3A_58 = arith.cmpi ne, %rem3A_55, %ne3A_57 : vector<256x1xi32>
    %lt3A = arith.constant 0 : i32
    %lt3A_59 = vector.broadcast %lt3A : i32 to vector<256x1xi32>
    %lt3A_60 = arith.cmpi slt, %rem3A_55, %lt3A_59 : vector<256x1xi32>
    %lt3A_61 = arith.constant 0 : i32
    %lt3A_62 = arith.cmpi slt, %select_n3A_53, %lt3A_61 : i32
    %ne3A_63 = vector.broadcast %lt3A_62 : i1 to vector<256x1xi1>
    %ne3A_64 = vector.broadcast %ne3A_63 : vector<256x1xi1> to vector<256x1xi1>
    %ne3A_65 = arith.xori %lt3A_60, %ne3A_64 : vector<256x1xi1>
    %and3A_66 = arith.andi %ne3A_65, %ne3A_58 : vector<256x1xi1>
    %add3A = vector.broadcast %select_n3A_53 : i32 to vector<256x1xi32>
    %add3A_67 = arith.addi %rem3A_55, %add3A : vector<256x1xi32>
    %select_n3A_68 = arith.select %and3A_66, %add3A_67, %rem3A_55 : vector<256x1xi1>, vector<256x1xi32>
    %eq3A_69 = vector.broadcast %select_n3A_68 : vector<256x1xi32> to vector<256x16xi32>
    %eq3A_70 = arith.cmpi eq, %iota3A_23, %eq3A_69 : vector<256x16xi32>
    %convert_element_type3A_71 = arith.extui %eq3A_70 : vector<256x16xi1> to vector<256x16xi32>
    %convert_element_type3A_72 = arith.sitofp %convert_element_type3A_71 : vector<256x16xi32> to vector<256x16xf32>
    %slice3A = vector.extract_strided_slice %get3A_16 {offsets = [1, 0], sizes = [16, 64], strides = [1, 1]} : vector<50x64xf32> to vector<16x64xf32>
    %dot_general3A = arith.constant dense<0.000000e+00> : vector<256x64xf32>
    %dot_general3A_73 = tpu.matmul %convert_element_type3A_48, %slice3A, %dot_general3A {dimension_numbers = #tpu.dot_dimension_numbers<[1], [0], [0], [1], [0, 0, 1, 1], [], []>, precision = #tpu.contract_precision<fp32>, transpose_lhs_hint = false} : vector<256x16xf32>, vector<16x64xf32>, vector<256x64xf32> -> vector<256x64xf32>
    %slice3A_74 = vector.extract_strided_slice %get3A_16 {offsets = [34, 0], sizes = [16, 64], strides = [1, 1]} : vector<50x64xf32> to vector<16x64xf32>
    %dot_general3A_75 = arith.constant dense<0.000000e+00> : vector<256x64xf32>
    %dot_general3A_76 = tpu.matmul %convert_element_type3A_72, %slice3A_74, %dot_general3A_75 {dimension_numbers = #tpu.dot_dimension_numbers<[1], [0], [0], [1], [0, 0, 1, 1], [], []>, precision = #tpu.contract_precision<fp32>, transpose_lhs_hint = false} : vector<256x16xf32>, vector<16x64xf32>, vector<256x64xf32> -> vector<256x64xf32>
    %add3A_77 = arith.addf %dot_general3A_73, %dot_general3A_76 : vector<256x64xf32>
    %reduce_sum3A = arith.constant dense<0.000000e+00> : vector<256xf32>
    %reduce_sum3A_78 = vector.multi_reduction <add>, %add3A_77, %reduce_sum3A [1] : vector<256x64xf32> to vector<256xf32>
    %broadcast_in_dim3A = vector.shape_cast %reduce_sum3A_78 : vector<256xf32> to vector<256x1xf32>
    %div3A_79 = arith.constant 6.400000e+01 : f32
    %div3A_80 = vector.broadcast %div3A_79 : f32 to vector<256x1xf32>
    %div3A_81 = arith.divf %broadcast_in_dim3A, %div3A_80 : vector<256x1xf32>
    %sub3A_82 = vector.broadcast %div3A_81 : vector<256x1xf32> to vector<256x64xf32>
    %sub3A_83 = arith.subf %add3A_77, %sub3A_82 : vector<256x64xf32>
    %mul3A = arith.mulf %sub3A_83, %sub3A_83 : vector<256x64xf32>
    %reduce_sum3A_84 = arith.constant dense<0.000000e+00> : vector<256xf32>
    %reduce_sum3A_85 = vector.multi_reduction <add>, %mul3A, %reduce_sum3A_84 [1] : vector<256x64xf32> to vector<256xf32>
    %broadcast_in_dim3A_86 = vector.shape_cast %reduce_sum3A_85 : vector<256xf32> to vector<256x1xf32>
    %div3A_87 = arith.constant 6.400000e+01 : f32
    %div3A_88 = vector.broadcast %div3A_87 : f32 to vector<256x1xf32>
    %div3A_89 = arith.divf %broadcast_in_dim3A_86, %div3A_88 : vector<256x1xf32>
    %add3A_90 = arith.constant 9.99999974E-6 : f32
    %add3A_91 = vector.broadcast %add3A_90 : f32 to vector<256x1xf32>
    %add3A_92 = arith.addf %div3A_89, %add3A_91 : vector<256x1xf32>
    %rsqrt3A = math.rsqrt %add3A_92 : vector<256x1xf32>
    %mul3A_93 = vector.broadcast %rsqrt3A : vector<256x1xf32> to vector<256x64xf32>
    %mul3A_94 = arith.mulf %sub3A_83, %mul3A_93 : vector<256x64xf32>
    %mul3A_95 = vector.broadcast %get3A_19 : vector<1x64xf32> to vector<256x64xf32>
    %mul3A_96 = arith.mulf %mul3A_94, %mul3A_95 : vector<256x64xf32>
    %add3A_97 = vector.broadcast %get3A_22 : vector<1x64xf32> to vector<256x64xf32>
    %add3A_98 = arith.addf %mul3A_96, %add3A_97 : vector<256x64xf32>
    %convert_element_type3A_99 = arith.truncf %add3A_98 : vector<256x64xf32> to vector<256x64xbf16>
    %convert_element_type3A_100 = arith.extf %convert_element_type3A_99 : vector<256x64xbf16> to vector<256x64xf32>
    %sub3A_101 = arith.subf %add3A_98, %convert_element_type3A_100 : vector<256x64xf32>
    %convert_element_type3A_102 = arith.truncf %sub3A_101 : vector<256x64xf32> to vector<256x64xbf16>
    %dot_general3A_103 = arith.constant dense<0.000000e+00> : vector<4x4xf32>
    %dot_general3A_104 = tpu.matmul %get3A_1, %get3A_1, %dot_general3A_103 {dimension_numbers = #tpu.dot_dimension_numbers<[1], [1], [0], [0], [0, 0, 1, 0], [], []>, precision = #tpu.contract_precision<fp32>, transpose_lhs_hint = false} : vector<4x64xf32>, vector<4x64xf32>, vector<4x4xf32> -> vector<4x4xf32>
    %dot_general3A_105 = arith.constant dense<0.000000e+00> : vector<4x1xf32>
    %dot_general3A_106 = tpu.matmul %get3A_1, %get3A_4, %dot_general3A_105 {dimension_numbers = #tpu.dot_dimension_numbers<[1], [1], [0], [0], [0, 0, 1, 0], [], []>, precision = #tpu.contract_precision<fp32>, transpose_lhs_hint = false} : vector<4x64xf32>, vector<1x64xf32>, vector<4x1xf32> -> vector<4x1xf32>
    %reduce_sum3A_107 = arith.constant dense<0.000000e+00> : vector<4xf32>
    %reduce_sum3A_108 = vector.multi_reduction <add>, %get3A_1, %reduce_sum3A_107 [1] : vector<4x64xf32> to vector<4xf32>
    %broadcast_in_dim3A_109 = vector.shape_cast %reduce_sum3A_108 : vector<4xf32> to vector<4x1xf32>
    %mul3A_110 = arith.mulf %get3A_4, %get3A_4 : vector<1x64xf32>
    %reduce_sum3A_111 = arith.constant dense<0.000000e+00> : vector<1xf32>
    %reduce_sum3A_112 = vector.multi_reduction <add>, %mul3A_110, %reduce_sum3A_111 [1] : vector<1x64xf32> to vector<1xf32>
    %broadcast_in_dim3A_113 = vector.shape_cast %reduce_sum3A_112 : vector<1xf32> to vector<1x1xf32>
    %reduce_sum3A_114 = arith.constant dense<0.000000e+00> : vector<1xf32>
    %reduce_sum3A_115 = vector.multi_reduction <add>, %get3A_4, %reduce_sum3A_114 [1] : vector<1x64xf32> to vector<1xf32>
    %broadcast_in_dim3A_116 = vector.shape_cast %reduce_sum3A_115 : vector<1xf32> to vector<1x1xf32>
    %get3A_117 = arith.constant 0 : index
    %get3A_118 = arith.constant 0 : index
    %get3A_119 = arith.constant 0 : index
    %get3A_120 = vector.load %arg1[%get3A_117, %get3A_118, %get3A_119] : memref<1x4x8192xi32, #tpu.memory_space<vmem>>, vector<1x1x2048xi32>
    %get3A_121 = vector.shape_cast %get3A_120 : vector<1x1x2048xi32> to vector<1x2048xi32>
    %mul3A_122 = arith.constant 16 : i32
    %mul3A_123 = vector.broadcast %mul3A_122 : i32 to vector<1x2048xi32>
    %mul3A_124 = arith.muli %get3A_121, %mul3A_123 : vector<1x2048xi32>
    %get3A_125 = arith.constant 0 : index
    %get3A_126 = arith.constant 1 : index
    %get3A_127 = arith.constant 0 : index
    %get3A_128 = vector.load %arg1[%get3A_125, %get3A_126, %get3A_127] : memref<1x4x8192xi32, #tpu.memory_space<vmem>>, vector<1x1x2048xi32>
    %get3A_129 = vector.shape_cast %get3A_128 : vector<1x1x2048xi32> to vector<1x2048xi32>
    %add3A_130 = arith.addi %mul3A_124, %get3A_129 : vector<1x2048xi32>
    %get3A_131 = arith.constant 0 : index
    %get3A_132 = arith.constant 2 : index
    %get3A_133 = arith.constant 0 : index
    %get3A_134 = vector.load %arg1[%get3A_131, %get3A_132, %get3A_133] : memref<1x4x8192xi32, #tpu.memory_space<vmem>>, vector<1x1x2048xi32>
    %get3A_135 = vector.shape_cast %get3A_134 : vector<1x1x2048xi32> to vector<1x2048xi32>
    %mul3A_136 = arith.constant 16 : i32
    %mul3A_137 = vector.broadcast %mul3A_136 : i32 to vector<1x2048xi32>
    %mul3A_138 = arith.muli %get3A_135, %mul3A_137 : vector<1x2048xi32>
    %get3A_139 = arith.constant 0 : index
    %get3A_140 = arith.constant 3 : index
    %get3A_141 = arith.constant 0 : index
    %get3A_142 = vector.load %arg1[%get3A_139, %get3A_140, %get3A_141] : memref<1x4x8192xi32, #tpu.memory_space<vmem>>, vector<1x1x2048xi32>
    %get3A_143 = vector.shape_cast %get3A_142 : vector<1x1x2048xi32> to vector<1x2048xi32>
    %add3A_144 = arith.addi %mul3A_138, %get3A_143 : vector<1x2048xi32>
    %concatenate3A = tpu.concatenate %add3A_130, %add3A_144 in 1 : vector<1x2048xi32>, vector<1x2048xi32> -> vector<1x4096xi32>
    %get3A_145 = arith.constant 0 : index
    %get3A_146 = arith.constant 0 : index
    %get3A_147 = arith.constant 0 : index
    %get3A_148 = vector.load %arg2[%get3A_145, %get3A_146, %get3A_147] : memref<1x8x8192xf32, #tpu.memory_space<vmem>>, vector<1x4x2048xf32>
    %get3A_149 = vector.shape_cast %get3A_148 : vector<1x4x2048xf32> to vector<4x2048xf32>
    %get3A_150 = arith.constant 0 : index
    %get3A_151 = arith.constant 4 : index
    %get3A_152 = arith.constant 0 : index
    %get3A_153 = vector.load %arg2[%get3A_150, %get3A_151, %get3A_152] : memref<1x8x8192xf32, #tpu.memory_space<vmem>>, vector<1x4x2048xf32>
    %get3A_154 = vector.shape_cast %get3A_153 : vector<1x4x2048xf32> to vector<4x2048xf32>
    %concatenate3A_155 = tpu.concatenate %get3A_149, %get3A_154 in 1 : vector<4x2048xf32>, vector<4x2048xf32> -> vector<4x4096xf32>
    %iota3A_156 = tpu.iota {dimensions = array<i32: 0>} : vector<256x4096xi32>
    %eq3A_157 = vector.broadcast %concatenate3A : vector<1x4096xi32> to vector<256x4096xi32>
    %eq3A_158 = arith.cmpi eq, %iota3A_156, %eq3A_157 : vector<256x4096xi32>
    %convert_element_type3A_159 = arith.extui %eq3A_158 : vector<256x4096xi1> to vector<256x4096xi32>
    %convert_element_type3A_160 = arith.sitofp %convert_element_type3A_159 : vector<256x4096xi32> to vector<256x4096xf32>
    %convert_element_type3A_161 = arith.truncf %convert_element_type3A_160 : vector<256x4096xf32> to vector<256x4096xbf16>
    %dot_general3A_162 = arith.constant dense<0.000000e+00> : vector<4096x64xf32>
    %dot_general3A_163 = tpu.matmul %convert_element_type3A_161, %convert_element_type3A_99, %dot_general3A_162 {dimension_numbers = #tpu.dot_dimension_numbers<[0], [0], [1], [1], [0, 1, 1, 1], [], []>, transpose_lhs_hint = false} : vector<256x4096xbf16>, vector<256x64xbf16>, vector<4096x64xf32> -> vector<4096x64xf32>
    %dot_general3A_164 = arith.constant dense<0.000000e+00> : vector<4096x64xf32>
    %dot_general3A_165 = tpu.matmul %convert_element_type3A_161, %convert_element_type3A_102, %dot_general3A_164 {dimension_numbers = #tpu.dot_dimension_numbers<[0], [0], [1], [1], [0, 1, 1, 1], [], []>, transpose_lhs_hint = false} : vector<256x4096xbf16>, vector<256x64xbf16>, vector<4096x64xf32> -> vector<4096x64xf32>
    %add3A_166 = arith.addf %dot_general3A_163, %dot_general3A_165 : vector<4096x64xf32>
    %dot_general3A_167 = arith.constant dense<0.000000e+00> : vector<4096x64xf32>
    %dot_general3A_168 = tpu.matmul %concatenate3A_155, %get3A_1, %dot_general3A_167 {dimension_numbers = #tpu.dot_dimension_numbers<[0], [0], [1], [1], [0, 1, 1, 1], [], []>, precision = #tpu.contract_precision<fp32>, transpose_lhs_hint = false} : vector<4x4096xf32>, vector<4x64xf32>, vector<4096x64xf32> -> vector<4096x64xf32>
    %add3A_169 = vector.broadcast %get3A_4 : vector<1x64xf32> to vector<4096x64xf32>
    %add3A_170 = arith.addf %dot_general3A_168, %add3A_169 : vector<4096x64xf32>
    %slice3A_171 = vector.extract_strided_slice %concatenate3A_155 {offsets = [0, 0], sizes = [1, 4096], strides = [1, 1]} : vector<4x4096xf32> to vector<1x4096xf32>
    %slice3A_172 = vector.extract_strided_slice %concatenate3A_155 {offsets = [1, 0], sizes = [1, 4096], strides = [1, 1]} : vector<4x4096xf32> to vector<1x4096xf32>
    %slice3A_173 = vector.extract_strided_slice %concatenate3A_155 {offsets = [2, 0], sizes = [1, 4096], strides = [1, 1]} : vector<4x4096xf32> to vector<1x4096xf32>
    %slice3A_174 = vector.extract_strided_slice %concatenate3A_155 {offsets = [3, 0], sizes = [1, 4096], strides = [1, 1]} : vector<4x4096xf32> to vector<1x4096xf32>
    %broadcast_in_dim3A_175 = arith.constant 0.000000e+00 : f32
    %broadcast_in_dim3A_176 = vector.broadcast %broadcast_in_dim3A_175 : f32 to vector<1x4096xf32>
    %add3A_177 = vector.broadcast %broadcast_in_dim3A_116 : vector<1x1xf32> to vector<1x4096xf32>
    %add3A_178 = arith.addf %broadcast_in_dim3A_176, %add3A_177 : vector<1x4096xf32>
    %slice3A_179 = vector.extract_strided_slice %broadcast_in_dim3A_109 {offsets = [0, 0], sizes = [1, 1], strides = [1, 1]} : vector<4x1xf32> to vector<1x1xf32>
    %mul3A_180 = vector.broadcast %slice3A_179 : vector<1x1xf32> to vector<1x4096xf32>
    %mul3A_181 = arith.mulf %slice3A_171, %mul3A_180 : vector<1x4096xf32>
    %add3A_182 = arith.addf %add3A_178, %mul3A_181 : vector<1x4096xf32>
    %slice3A_183 = vector.extract_strided_slice %broadcast_in_dim3A_109 {offsets = [1, 0], sizes = [1, 1], strides = [1, 1]} : vector<4x1xf32> to vector<1x1xf32>
    %mul3A_184 = vector.broadcast %slice3A_183 : vector<1x1xf32> to vector<1x4096xf32>
    %mul3A_185 = arith.mulf %slice3A_172, %mul3A_184 : vector<1x4096xf32>
    %add3A_186 = arith.addf %add3A_182, %mul3A_185 : vector<1x4096xf32>
    %slice3A_187 = vector.extract_strided_slice %broadcast_in_dim3A_109 {offsets = [2, 0], sizes = [1, 1], strides = [1, 1]} : vector<4x1xf32> to vector<1x1xf32>
    %mul3A_188 = vector.broadcast %slice3A_187 : vector<1x1xf32> to vector<1x4096xf32>
    %mul3A_189 = arith.mulf %slice3A_173, %mul3A_188 : vector<1x4096xf32>
    %add3A_190 = arith.addf %add3A_186, %mul3A_189 : vector<1x4096xf32>
    %slice3A_191 = vector.extract_strided_slice %broadcast_in_dim3A_109 {offsets = [3, 0], sizes = [1, 1], strides = [1, 1]} : vector<4x1xf32> to vector<1x1xf32>
    %mul3A_192 = vector.broadcast %slice3A_191 : vector<1x1xf32> to vector<1x4096xf32>
    %mul3A_193 = arith.mulf %slice3A_174, %mul3A_192 : vector<1x4096xf32>
    %add3A_194 = arith.addf %add3A_190, %mul3A_193 : vector<1x4096xf32>
    %mul3A_195 = arith.constant 1.562500e-02 : f32
    %mul3A_196 = vector.broadcast %mul3A_195 : f32 to vector<1x4096xf32>
    %mul3A_197 = arith.mulf %add3A_194, %mul3A_196 : vector<1x4096xf32>
    %broadcast_in_dim3A_198 = arith.constant 0.000000e+00 : f32
    %broadcast_in_dim3A_199 = vector.broadcast %broadcast_in_dim3A_198 : f32 to vector<1x4096xf32>
    %add3A_200 = vector.broadcast %broadcast_in_dim3A_113 : vector<1x1xf32> to vector<1x4096xf32>
    %add3A_201 = arith.addf %broadcast_in_dim3A_199, %add3A_200 : vector<1x4096xf32>
    %mul3A_202 = arith.constant 2.000000e+00 : f32
    %mul3A_203 = vector.broadcast %mul3A_202 : f32 to vector<1x4096xf32>
    %mul3A_204 = arith.mulf %mul3A_203, %slice3A_171 : vector<1x4096xf32>
    %slice3A_205 = vector.extract_strided_slice %dot_general3A_106 {offsets = [0, 0], sizes = [1, 1], strides = [1, 1]} : vector<4x1xf32> to vector<1x1xf32>
    %mul3A_206 = vector.broadcast %slice3A_205 : vector<1x1xf32> to vector<1x4096xf32>
    %mul3A_207 = arith.mulf %mul3A_204, %mul3A_206 : vector<1x4096xf32>
    %add3A_208 = arith.addf %add3A_201, %mul3A_207 : vector<1x4096xf32>
    %mul3A_209 = arith.mulf %slice3A_171, %slice3A_171 : vector<1x4096xf32>
    %slice3A_210 = vector.extract_strided_slice %dot_general3A_104 {offsets = [0, 0], sizes = [1, 1], strides = [1, 1]} : vector<4x4xf32> to vector<1x1xf32>
    %mul3A_211 = vector.broadcast %slice3A_210 : vector<1x1xf32> to vector<1x4096xf32>
    %mul3A_212 = arith.mulf %mul3A_209, %mul3A_211 : vector<1x4096xf32>
    %add3A_213 = arith.addf %add3A_208, %mul3A_212 : vector<1x4096xf32>
    %mul3A_214 = arith.constant 2.000000e+00 : f32
    %mul3A_215 = vector.broadcast %mul3A_214 : f32 to vector<1x4096xf32>
    %mul3A_216 = arith.mulf %mul3A_215, %slice3A_171 : vector<1x4096xf32>
    %mul3A_217 = arith.mulf %mul3A_216, %slice3A_172 : vector<1x4096xf32>
    %slice3A_218 = vector.extract_strided_slice %dot_general3A_104 {offsets = [0, 1], sizes = [1, 1], strides = [1, 1]} : vector<4x4xf32> to vector<1x1xf32>
    %mul3A_219 = vector.broadcast %slice3A_218 : vector<1x1xf32> to vector<1x4096xf32>
    %mul3A_220 = arith.mulf %mul3A_217, %mul3A_219 : vector<1x4096xf32>
    %add3A_221 = arith.addf %add3A_213, %mul3A_220 : vector<1x4096xf32>
    %mul3A_222 = arith.constant 2.000000e+00 : f32
    %mul3A_223 = vector.broadcast %mul3A_222 : f32 to vector<1x4096xf32>
    %mul3A_224 = arith.mulf %mul3A_223, %slice3A_171 : vector<1x4096xf32>
    %mul3A_225 = arith.mulf %mul3A_224, %slice3A_173 : vector<1x4096xf32>
    %slice3A_226 = vector.extract_strided_slice %dot_general3A_104 {offsets = [0, 2], sizes = [1, 1], strides = [1, 1]} : vector<4x4xf32> to vector<1x1xf32>
    %mul3A_227 = vector.broadcast %slice3A_226 : vector<1x1xf32> to vector<1x4096xf32>
    %mul3A_228 = arith.mulf %mul3A_225, %mul3A_227 : vector<1x4096xf32>
    %add3A_229 = arith.addf %add3A_221, %mul3A_228 : vector<1x4096xf32>
    %mul3A_230 = arith.constant 2.000000e+00 : f32
    %mul3A_231 = vector.broadcast %mul3A_230 : f32 to vector<1x4096xf32>
    %mul3A_232 = arith.mulf %mul3A_231, %slice3A_171 : vector<1x4096xf32>
    %mul3A_233 = arith.mulf %mul3A_232, %slice3A_174 : vector<1x4096xf32>
    %slice3A_234 = vector.extract_strided_slice %dot_general3A_104 {offsets = [0, 3], sizes = [1, 1], strides = [1, 1]} : vector<4x4xf32> to vector<1x1xf32>
    %mul3A_235 = vector.broadcast %slice3A_234 : vector<1x1xf32> to vector<1x4096xf32>
    %mul3A_236 = arith.mulf %mul3A_233, %mul3A_235 : vector<1x4096xf32>
    %add3A_237 = arith.addf %add3A_229, %mul3A_236 : vector<1x4096xf32>
    %mul3A_238 = arith.constant 2.000000e+00 : f32
    %mul3A_239 = vector.broadcast %mul3A_238 : f32 to vector<1x4096xf32>
    %mul3A_240 = arith.mulf %mul3A_239, %slice3A_172 : vector<1x4096xf32>
    %slice3A_241 = vector.extract_strided_slice %dot_general3A_106 {offsets = [1, 0], sizes = [1, 1], strides = [1, 1]} : vector<4x1xf32> to vector<1x1xf32>
    %mul3A_242 = vector.broadcast %slice3A_241 : vector<1x1xf32> to vector<1x4096xf32>
    %mul3A_243 = arith.mulf %mul3A_240, %mul3A_242 : vector<1x4096xf32>
    %add3A_244 = arith.addf %add3A_237, %mul3A_243 : vector<1x4096xf32>
    %mul3A_245 = arith.mulf %slice3A_172, %slice3A_172 : vector<1x4096xf32>
    %slice3A_246 = vector.extract_strided_slice %dot_general3A_104 {offsets = [1, 1], sizes = [1, 1], strides = [1, 1]} : vector<4x4xf32> to vector<1x1xf32>
    %mul3A_247 = vector.broadcast %slice3A_246 : vector<1x1xf32> to vector<1x4096xf32>
    %mul3A_248 = arith.mulf %mul3A_245, %mul3A_247 : vector<1x4096xf32>
    %add3A_249 = arith.addf %add3A_244, %mul3A_248 : vector<1x4096xf32>
    %mul3A_250 = arith.constant 2.000000e+00 : f32
    %mul3A_251 = vector.broadcast %mul3A_250 : f32 to vector<1x4096xf32>
    %mul3A_252 = arith.mulf %mul3A_251, %slice3A_172 : vector<1x4096xf32>
    %mul3A_253 = arith.mulf %mul3A_252, %slice3A_173 : vector<1x4096xf32>
    %slice3A_254 = vector.extract_strided_slice %dot_general3A_104 {offsets = [1, 2], sizes = [1, 1], strides = [1, 1]} : vector<4x4xf32> to vector<1x1xf32>
    %mul3A_255 = vector.broadcast %slice3A_254 : vector<1x1xf32> to vector<1x4096xf32>
    %mul3A_256 = arith.mulf %mul3A_253, %mul3A_255 : vector<1x4096xf32>
    %add3A_257 = arith.addf %add3A_249, %mul3A_256 : vector<1x4096xf32>
    %mul3A_258 = arith.constant 2.000000e+00 : f32
    %mul3A_259 = vector.broadcast %mul3A_258 : f32 to vector<1x4096xf32>
    %mul3A_260 = arith.mulf %mul3A_259, %slice3A_172 : vector<1x4096xf32>
    %mul3A_261 = arith.mulf %mul3A_260, %slice3A_174 : vector<1x4096xf32>
    %slice3A_262 = vector.extract_strided_slice %dot_general3A_104 {offsets = [1, 3], sizes = [1, 1], strides = [1, 1]} : vector<4x4xf32> to vector<1x1xf32>
    %mul3A_263 = vector.broadcast %slice3A_262 : vector<1x1xf32> to vector<1x4096xf32>
    %mul3A_264 = arith.mulf %mul3A_261, %mul3A_263 : vector<1x4096xf32>
    %add3A_265 = arith.addf %add3A_257, %mul3A_264 : vector<1x4096xf32>
    %mul3A_266 = arith.constant 2.000000e+00 : f32
    %mul3A_267 = vector.broadcast %mul3A_266 : f32 to vector<1x4096xf32>
    %mul3A_268 = arith.mulf %mul3A_267, %slice3A_173 : vector<1x4096xf32>
    %slice3A_269 = vector.extract_strided_slice %dot_general3A_106 {offsets = [2, 0], sizes = [1, 1], strides = [1, 1]} : vector<4x1xf32> to vector<1x1xf32>
    %mul3A_270 = vector.broadcast %slice3A_269 : vector<1x1xf32> to vector<1x4096xf32>
    %mul3A_271 = arith.mulf %mul3A_268, %mul3A_270 : vector<1x4096xf32>
    %add3A_272 = arith.addf %add3A_265, %mul3A_271 : vector<1x4096xf32>
    %mul3A_273 = arith.mulf %slice3A_173, %slice3A_173 : vector<1x4096xf32>
    %slice3A_274 = vector.extract_strided_slice %dot_general3A_104 {offsets = [2, 2], sizes = [1, 1], strides = [1, 1]} : vector<4x4xf32> to vector<1x1xf32>
    %mul3A_275 = vector.broadcast %slice3A_274 : vector<1x1xf32> to vector<1x4096xf32>
    %mul3A_276 = arith.mulf %mul3A_273, %mul3A_275 : vector<1x4096xf32>
    %add3A_277 = arith.addf %add3A_272, %mul3A_276 : vector<1x4096xf32>
    %mul3A_278 = arith.constant 2.000000e+00 : f32
    %mul3A_279 = vector.broadcast %mul3A_278 : f32 to vector<1x4096xf32>
    %mul3A_280 = arith.mulf %mul3A_279, %slice3A_173 : vector<1x4096xf32>
    %mul3A_281 = arith.mulf %mul3A_280, %slice3A_174 : vector<1x4096xf32>
    %slice3A_282 = vector.extract_strided_slice %dot_general3A_104 {offsets = [2, 3], sizes = [1, 1], strides = [1, 1]} : vector<4x4xf32> to vector<1x1xf32>
    %mul3A_283 = vector.broadcast %slice3A_282 : vector<1x1xf32> to vector<1x4096xf32>
    %mul3A_284 = arith.mulf %mul3A_281, %mul3A_283 : vector<1x4096xf32>
    %add3A_285 = arith.addf %add3A_277, %mul3A_284 : vector<1x4096xf32>
    %mul3A_286 = arith.constant 2.000000e+00 : f32
    %mul3A_287 = vector.broadcast %mul3A_286 : f32 to vector<1x4096xf32>
    %mul3A_288 = arith.mulf %mul3A_287, %slice3A_174 : vector<1x4096xf32>
    %slice3A_289 = vector.extract_strided_slice %dot_general3A_106 {offsets = [3, 0], sizes = [1, 1], strides = [1, 1]} : vector<4x1xf32> to vector<1x1xf32>
    %mul3A_290 = vector.broadcast %slice3A_289 : vector<1x1xf32> to vector<1x4096xf32>
    %mul3A_291 = arith.mulf %mul3A_288, %mul3A_290 : vector<1x4096xf32>
    %add3A_292 = arith.addf %add3A_285, %mul3A_291 : vector<1x4096xf32>
    %mul3A_293 = arith.mulf %slice3A_174, %slice3A_174 : vector<1x4096xf32>
    %slice3A_294 = vector.extract_strided_slice %dot_general3A_104 {offsets = [3, 3], sizes = [1, 1], strides = [1, 1]} : vector<4x4xf32> to vector<1x1xf32>
    %mul3A_295 = vector.broadcast %slice3A_294 : vector<1x1xf32> to vector<1x4096xf32>
    %mul3A_296 = arith.mulf %mul3A_293, %mul3A_295 : vector<1x4096xf32>
    %add3A_297 = arith.addf %add3A_292, %mul3A_296 : vector<1x4096xf32>
    %mul3A_298 = arith.constant 1.562500e-02 : f32
    %mul3A_299 = vector.broadcast %mul3A_298 : f32 to vector<1x4096xf32>
    %mul3A_300 = arith.mulf %add3A_297, %mul3A_299 : vector<1x4096xf32>
    %mul3A_301 = arith.mulf %mul3A_197, %mul3A_197 : vector<1x4096xf32>
    %sub3A_302 = arith.subf %mul3A_300, %mul3A_301 : vector<1x4096xf32>
    %add3A_303 = arith.constant 9.99999974E-6 : f32
    %add3A_304 = vector.broadcast %add3A_303 : f32 to vector<1x4096xf32>
    %add3A_305 = arith.addf %sub3A_302, %add3A_304 : vector<1x4096xf32>
    %rsqrt3A_306 = math.rsqrt %add3A_305 : vector<1x4096xf32>
    %transpose3A = tpu.transpose %mul3A_197, [1, 0] : vector<1x4096xf32> -> vector<4096x1xf32>
    %transpose3A_307 = tpu.transpose %rsqrt3A_306, [1, 0] : vector<1x4096xf32> -> vector<4096x1xf32>
    %sub3A_308 = vector.broadcast %transpose3A : vector<4096x1xf32> to vector<4096x64xf32>
    %sub3A_309 = arith.subf %add3A_170, %sub3A_308 : vector<4096x64xf32>
    %mul3A_310 = vector.broadcast %transpose3A_307 : vector<4096x1xf32> to vector<4096x64xf32>
    %mul3A_311 = arith.mulf %sub3A_309, %mul3A_310 : vector<4096x64xf32>
    %mul3A_312 = vector.broadcast %get3A_7 : vector<1x64xf32> to vector<4096x64xf32>
    %mul3A_313 = arith.mulf %mul3A_311, %mul3A_312 : vector<4096x64xf32>
    %add3A_314 = vector.broadcast %get3A_10 : vector<1x64xf32> to vector<4096x64xf32>
    %add3A_315 = arith.addf %mul3A_313, %add3A_314 : vector<4096x64xf32>
    %add3A_316 = arith.addf %add3A_166, %add3A_315 : vector<4096x64xf32>
    %slice3A_317 = vector.extract_strided_slice %add3A_316 {offsets = [0, 0], sizes = [2048, 64], strides = [1, 1]} : vector<4096x64xf32> to vector<2048x64xf32>
    %slice3A_318 = vector.extract_strided_slice %add3A_316 {offsets = [2048, 0], sizes = [2048, 64], strides = [1, 1]} : vector<4096x64xf32> to vector<2048x64xf32>
    %iota3A_319 = tpu.iota {dimensions = array<i32: 0>} : vector<2048x1xi32>
    %add3A_320 = arith.constant 0 : i32
    %add3A_321 = vector.broadcast %add3A_320 : i32 to vector<2048x1xi32>
    %add3A_322 = arith.addi %iota3A_319, %add3A_321 : vector<2048x1xi32>
    %lt3A_323 = arith.constant 64 : i32
    %lt3A_324 = vector.broadcast %lt3A_323 : i32 to vector<2048x1xi32>
    %lt3A_325 = arith.cmpi slt, %add3A_322, %lt3A_324 : vector<2048x1xi32>
    %jit3A_326 = arith.constant 64 : i32
    %eq3A_327 = arith.constant 0 : i32
    %eq3A_328 = arith.cmpi eq, %jit3A_326, %eq3A_327 : i32
    %jit3A_329 = arith.constant 1 : i32
    %select_n3A_330 = arith.select %eq3A_328, %jit3A_329, %jit3A_326 : i32
    %rem3A_331 = vector.broadcast %select_n3A_330 : i32 to vector<2048x1xi32>
    %rem3A_332 = arith.remsi %add3A_322, %rem3A_331 : vector<2048x1xi32>
    %ne3A_333 = arith.constant 0 : i32
    %ne3A_334 = vector.broadcast %ne3A_333 : i32 to vector<2048x1xi32>
    %ne3A_335 = arith.cmpi ne, %rem3A_332, %ne3A_334 : vector<2048x1xi32>
    %lt3A_336 = arith.constant 0 : i32
    %lt3A_337 = vector.broadcast %lt3A_336 : i32 to vector<2048x1xi32>
    %lt3A_338 = arith.cmpi slt, %rem3A_332, %lt3A_337 : vector<2048x1xi32>
    %lt3A_339 = arith.constant 0 : i32
    %lt3A_340 = arith.cmpi slt, %select_n3A_330, %lt3A_339 : i32
    %ne3A_341 = vector.broadcast %lt3A_340 : i1 to vector<2048x1xi1>
    %ne3A_342 = vector.broadcast %ne3A_341 : vector<2048x1xi1> to vector<2048x1xi1>
    %ne3A_343 = arith.xori %lt3A_338, %ne3A_342 : vector<2048x1xi1>
    %and3A_344 = arith.andi %ne3A_343, %ne3A_335 : vector<2048x1xi1>
    %add3A_345 = vector.broadcast %select_n3A_330 : i32 to vector<2048x1xi32>
    %add3A_346 = arith.addi %rem3A_332, %add3A_345 : vector<2048x1xi32>
    %select_n3A_347 = arith.select %and3A_344, %add3A_346, %rem3A_332 : vector<2048x1xi1>, vector<2048x1xi32>
    %eq3A_348 = arith.constant 0 : i32
    %eq3A_349 = vector.broadcast %eq3A_348 : i32 to vector<2048x1xi32>
    %eq3A_350 = arith.cmpi eq, %select_n3A_347, %eq3A_349 : vector<2048x1xi32>
    %or3A = arith.ori %lt3A_325, %eq3A_350 : vector<2048x1xi1>
    %lt3A_351 = arith.constant 64 : i32
    %lt3A_352 = vector.broadcast %lt3A_351 : i32 to vector<2048x1xi32>
    %lt3A_353 = arith.cmpi slt, %add3A_322, %lt3A_352 : vector<2048x1xi32>
    %broadcast_in_dim3A_354 = vector.shape_cast %or3A : vector<2048x1xi1> to vector<2048x1xi1>
    %broadcast_in_dim3A_355 = vector.broadcast %broadcast_in_dim3A_354 : vector<2048x1xi1> to vector<2048x64xi1>
    %broadcast_in_dim3A_356 = vector.shape_cast %get3A_13 : vector<1x64xf32> to vector<1x64xf32>
    %broadcast_in_dim3A_357 = vector.broadcast %broadcast_in_dim3A_356 : vector<1x64xf32> to vector<2048x64xf32>
    %select_n3A_358 = arith.select %broadcast_in_dim3A_355, %broadcast_in_dim3A_357, %slice3A_317 : vector<2048x64xi1>, vector<2048x64xf32>
    %broadcast_in_dim3A_359 = vector.shape_cast %lt3A_353 : vector<2048x1xi1> to vector<2048x1xi1>
    %broadcast_in_dim3A_360 = vector.broadcast %broadcast_in_dim3A_359 : vector<2048x1xi1> to vector<2048x64xi1>
    %broadcast_in_dim3A_361 = vector.shape_cast %get3A_13 : vector<1x64xf32> to vector<1x64xf32>
    %broadcast_in_dim3A_362 = vector.broadcast %broadcast_in_dim3A_361 : vector<1x64xf32> to vector<2048x64xf32>
    %select_n3A_363 = arith.select %broadcast_in_dim3A_360, %broadcast_in_dim3A_362, %slice3A_318 : vector<2048x64xi1>, vector<2048x64xf32>
    %concatenate3A_364 = tpu.concatenate %select_n3A_358, %select_n3A_363 in 1 : vector<2048x64xf32>, vector<2048x64xf32> -> vector<2048x128xf32>
    %swap3A = arith.constant 0 : index
    %swap3A_365 = arith.constant 0 : index
    %swap3A_366 = arith.constant 0 : index
    %swap3A_367 = vector.load %arg27[%swap3A, %swap3A_365, %swap3A_366] : memref<1x8192x128xf32, #tpu.memory_space<vmem>>, vector<1x2048x128xf32>
    %swap3A_368 = vector.shape_cast %swap3A_367 : vector<1x2048x128xf32> to vector<2048x128xf32>
    %swap3A_369 = vector.shape_cast %concatenate3A_364 : vector<2048x128xf32> to vector<1x2048x128xf32>
    tpu.vector_store %arg27[%swap3A, %swap3A_365, %swap3A_366], %swap3A_369 {strides = array<i32>} : memref<1x8192x128xf32, #tpu.memory_space<vmem>>, vector<1x2048x128xf32>,
    %get3A_370 = arith.constant 0 : index
    %get3A_371 = arith.constant 0 : index
    %get3A_372 = arith.constant 2048 : index
    %get3A_373 = vector.load %arg1[%get3A_370, %get3A_371, %get3A_372] : memref<1x4x8192xi32, #tpu.memory_space<vmem>>, vector<1x1x2048xi32>
    %get3A_374 = vector.shape_cast %get3A_373 : vector<1x1x2048xi32> to vector<1x2048xi32>
    %mul3A_375 = arith.constant 16 : i32
    %mul3A_376 = vector.broadcast %mul3A_375 : i32 to vector<1x2048xi32>
    %mul3A_377 = arith.muli %get3A_374, %mul3A_376 : vector<1x2048xi32>
    %get3A_378 = arith.constant 0 : index
    %get3A_379 = arith.constant 1 : index
    %get3A_380 = arith.constant 2048 : index
    %get3A_381 = vector.load %arg1[%get3A_378, %get3A_379, %get3A_380] : memref<1x4x8192xi32, #tpu.memory_space<vmem>>, vector<1x1x2048xi32>
    %get3A_382 = vector.shape_cast %get3A_381 : vector<1x1x2048xi32> to vector<1x2048xi32>
    %add3A_383 = arith.addi %mul3A_377, %get3A_382 : vector<1x2048xi32>
    %get3A_384 = arith.constant 0 : index
    %get3A_385 = arith.constant 2 : index
    %get3A_386 = arith.constant 2048 : index
    %get3A_387 = vector.load %arg1[%get3A_384, %get3A_385, %get3A_386] : memref<1x4x8192xi32, #tpu.memory_space<vmem>>, vector<1x1x2048xi32>
    %get3A_388 = vector.shape_cast %get3A_387 : vector<1x1x2048xi32> to vector<1x2048xi32>
    %mul3A_389 = arith.constant 16 : i32
    %mul3A_390 = vector.broadcast %mul3A_389 : i32 to vector<1x2048xi32>
    %mul3A_391 = arith.muli %get3A_388, %mul3A_390 : vector<1x2048xi32>
    %get3A_392 = arith.constant 0 : index
    %get3A_393 = arith.constant 3 : index
    %get3A_394 = arith.constant 2048 : index
    %get3A_395 = vector.load %arg1[%get3A_392, %get3A_393, %get3A_394] : memref<1x4x8192xi32, #tpu.memory_space<vmem>>, vector<1x1x2048xi32>
    %get3A_396 = vector.shape_cast %get3A_395 : vector<1x1x2048xi32> to vector<1x2048xi32>
    %add3A_397 = arith.addi %mul3A_391, %get3A_396 : vector<1x2048xi32>
    %concatenate3A_398 = tpu.concatenate %add3A_383, %add3A_397 in 1 : vector<1x2048xi32>, vector<1x2048xi32> -> vector<1x4096xi32>
    %get3A_399 = arith.constant 0 : index
    %get3A_400 = arith.constant 0 : index
    %get3A_401 = arith.constant 2048 : index
    %get3A_402 = vector.load %arg2[%get3A_399, %get3A_400, %get3A_401] : memref<1x8x8192xf32, #tpu.memory_space<vmem>>, vector<1x4x2048xf32>
    %get3A_403 = vector.shape_cast %get3A_402 : vector<1x4x2048xf32> to vector<4x2048xf32>
    %get3A_404 = arith.constant 0 : index
    %get3A_405 = arith.constant 4 : index
    %get3A_406 = arith.constant 2048 : index
    %get3A_407 = vector.load %arg2[%get3A_404, %get3A_405, %get3A_406] : memref<1x8x8192xf32, #tpu.memory_space<vmem>>, vector<1x4x2048xf32>
    %get3A_408 = vector.shape_cast %get3A_407 : vector<1x4x2048xf32> to vector<4x2048xf32>
    %concatenate3A_409 = tpu.concatenate %get3A_403, %get3A_408 in 1 : vector<4x2048xf32>, vector<4x2048xf32> -> vector<4x4096xf32>
    %iota3A_410 = tpu.iota {dimensions = array<i32: 0>} : vector<256x4096xi32>
    %eq3A_411 = vector.broadcast %concatenate3A_398 : vector<1x4096xi32> to vector<256x4096xi32>
    %eq3A_412 = arith.cmpi eq, %iota3A_410, %eq3A_411 : vector<256x4096xi32>
    %convert_element_type3A_413 = arith.extui %eq3A_412 : vector<256x4096xi1> to vector<256x4096xi32>
    %convert_element_type3A_414 = arith.sitofp %convert_element_type3A_413 : vector<256x4096xi32> to vector<256x4096xf32>
    %convert_element_type3A_415 = arith.truncf %convert_element_type3A_414 : vector<256x4096xf32> to vector<256x4096xbf16>
    %dot_general3A_416 = arith.constant dense<0.000000e+00> : vector<4096x64xf32>
    %dot_general3A_417 = tpu.matmul %convert_element_type3A_415, %convert_element_type3A_99, %dot_general3A_416 {dimension_numbers = #tpu.dot_dimension_numbers<[0], [0], [1], [1], [0, 1, 1, 1], [], []>, transpose_lhs_hint = false} : vector<256x4096xbf16>, vector<256x64xbf16>, vector<4096x64xf32> -> vector<4096x64xf32>
    %dot_general3A_418 = arith.constant dense<0.000000e+00> : vector<4096x64xf32>
    %dot_general3A_419 = tpu.matmul %convert_element_type3A_415, %convert_element_type3A_102, %dot_general3A_418 {dimension_numbers = #tpu.dot_dimension_numbers<[0], [0], [1], [1], [0, 1, 1, 1], [], []>, transpose_lhs_hint = false} : vector<256x4096xbf16>, vector<256x64xbf16>, vector<4096x64xf32> -> vector<4096x64xf32>
    %add3A_420 = arith.addf %dot_general3A_417, %dot_general3A_419 : vector<4096x64xf32>
    %dot_general3A_421 = arith.constant dense<0.000000e+00> : vector<4096x64xf32>
    %dot_general3A_422 = tpu.matmul %concatenate3A_409, %get3A_1, %dot_general3A_421 {dimension_numbers = #tpu.dot_dimension_numbers<[0], [0], [1], [1], [0, 1, 1, 1], [], []>, precision = #tpu.contract_precision<fp32>, transpose_lhs_hint = false} : vector<4x4096xf32>, vector<4x64xf32>, vector<4096x64xf32> -> vector<4096x64xf32>
    %add3A_423 = vector.broadcast %get3A_4 : vector<1x64xf32> to vector<4096x64xf32>
    %add3A_424 = arith.addf %dot_general3A_422, %add3A_423 : vector<4096x64xf32>
    %slice3A_425 = vector.extract_strided_slice %concatenate3A_409 {offsets = [0, 0], sizes = [1, 4096], strides = [1, 1]} : vector<4x4096xf32> to vector<1x4096xf32>
    %slice3A_426 = vector.extract_strided_slice %concatenate3A_409 {offsets = [1, 0], sizes = [1, 4096], strides = [1, 1]} : vector<4x4096xf32> to vector<1x4096xf32>
    %slice3A_427 = vector.extract_strided_slice %concatenate3A_409 {offsets = [2, 0], sizes = [1, 4096], strides = [1, 1]} : vector<4x4096xf32> to vector<1x4096xf32>
    %slice3A_428 = vector.extract_strided_slice %concatenate3A_409 {offsets = [3, 0], sizes = [1, 4096], strides = [1, 1]} : vector<4x4096xf32> to vector<1x4096xf32>
    %broadcast_in_dim3A_429 = arith.constant 0.000000e+00 : f32
    %broadcast_in_dim3A_430 = vector.broadcast %broadcast_in_dim3A_429 : f32 to vector<1x4096xf32>
    %add3A_431 = vector.broadcast %broadcast_in_dim3A_116 : vector<1x1xf32> to vector<1x4096xf32>
    %add3A_432 = arith.addf %broadcast_in_dim3A_430, %add3A_431 : vector<1x4096xf32>
    %slice3A_433 = vector.extract_strided_slice %broadcast_in_dim3A_109 {offsets = [0, 0], sizes = [1, 1], strides = [1, 1]} : vector<4x1xf32> to vector<1x1xf32>
    %mul3A_434 = vector.broadcast %slice3A_433 : vector<1x1xf32> to vector<1x4096xf32>
    %mul3A_435 = arith.mulf %slice3A_425, %mul3A_434 : vector<1x4096xf32>
    %add3A_436 = arith.addf %add3A_432, %mul3A_435 : vector<1x4096xf32>
    %slice3A_437 = vector.extract_strided_slice %broadcast_in_dim3A_109 {offsets = [1, 0], sizes = [1, 1], strides = [1, 1]} : vector<4x1xf32> to vector<1x1xf32>
    %mul3A_438 = vector.broadcast %slice3A_437 : vector<1x1xf32> to vector<1x4096xf32>
    %mul3A_439 = arith.mulf %slice3A_426, %mul3A_438 : vector<1x4096xf32>
    %add3A_440 = arith.addf %add3A_436, %mul3A_439 : vector<1x4096xf32>
    %slice3A_441 = vector.extract_strided_slice %broadcast_in_dim3A_109 {offsets = [2, 0], sizes = [1, 1], strides = [1, 1]} : vector<4x1xf32> to vector<1x1xf32>
    %mul3A_442 = vector.broadcast %slice3A_441 : vector<1x1xf32> to vector<1x4096xf32>
    %mul3A_443 = arith.mulf %slice3A_427, %mul3A_442 : vector<1x4096xf32>
    %add3A_444 = arith.addf %add3A_440, %mul3A_443 : vector<1x4096xf32>
    %slice3A_445 = vector.extract_strided_slice %broadcast_in_dim3A_109 {offsets = [3, 0], sizes = [1, 1], strides = [1, 1]} : vector<4x1xf32> to vector<1x1xf32>
    %mul3A_446 = vector.broadcast %slice3A_445 : vector<1x1xf32> to vector<1x4096xf32>
    %mul3A_447 = arith.mulf %slice3A_428, %mul3A_446 : vector<1x4096xf32>
    %add3A_448 = arith.addf %add3A_444, %mul3A_447 : vector<1x4096xf32>
    %mul3A_449 = arith.constant 1.562500e-02 : f32
    %mul3A_450 = vector.broadcast %mul3A_449 : f32 to vector<1x4096xf32>
    %mul3A_451 = arith.mulf %add3A_448, %mul3A_450 : vector<1x4096xf32>
    %broadcast_in_dim3A_452 = arith.constant 0.000000e+00 : f32
    %broadcast_in_dim3A_453 = vector.broadcast %broadcast_in_dim3A_452 : f32 to vector<1x4096xf32>
    %add3A_454 = vector.broadcast %broadcast_in_dim3A_113 : vector<1x1xf32> to vector<1x4096xf32>
    %add3A_455 = arith.addf %broadcast_in_dim3A_453, %add3A_454 : vector<1x4096xf32>
    %mul3A_456 = arith.constant 2.000000e+00 : f32
    %mul3A_457 = vector.broadcast %mul3A_456 : f32 to vector<1x4096xf32>
    %mul3A_458 = arith.mulf %mul3A_457, %slice3A_425 : vector<1x4096xf32>
    %slice3A_459 = vector.extract_strided_slice %dot_general3A_106 {offsets = [0, 0], sizes = [1, 1], strides = [1, 1]} : vector<4x1xf32> to vector<1x1xf32>
    %mul3A_460 = vector.broadcast %slice3A_459 : vector<1x1xf32> to vector<1x4096xf32>
    %mul3A_461 = arith.mulf %mul3A_458, %mul3A_460 : vector<1x4096xf32>
    %add3A_462 = arith.addf %add3A_455, %mul3A_461 : vector<1x4096xf32>
    %mul3A_463 = arith.mulf %slice3A_425, %slice3A_425 : vector<1x4096xf32>
    %slice3A_464 = vector.extract_strided_slice %dot_general3A_104 {offsets = [0, 0], sizes = [1, 1], strides = [1, 1]} : vector<4x4xf32> to vector<1x1xf32>
    %mul3A_465 = vector.broadcast %slice3A_464 : vector<1x1xf32> to vector<1x4096xf32>
    %mul3A_466 = arith.mulf %mul3A_463, %mul3A_465 : vector<1x4096xf32>
    %add3A_467 = arith.addf %add3A_462, %mul3A_466 : vector<1x4096xf32>
    %mul3A_468 = arith.constant 2.000000e+00 : f32
    %mul3A_469 = vector.broadcast %mul3A_468 : f32 to vector<1x4096xf32>
    %mul3A_470 = arith.mulf %mul3A_469, %slice3A_425 : vector<1x4096xf32>
    %mul3A_471 = arith.mulf %mul3A_470, %slice3A_426 : vector<1x4096xf32>
    %slice3A_472 = vector.extract_strided_slice %dot_general3A_104 {offsets = [0, 1], sizes = [1, 1], strides = [1, 1]} : vector<4x4xf32> to vector<1x1xf32>
    %mul3A_473 = vector.broadcast %slice3A_472 : vector<1x1xf32> to vector<1x4096xf32>
    %mul3A_474 = arith.mulf %mul3A_471, %mul3A_473 : vector<1x4096xf32>
    %add3A_475 = arith.addf %add3A_467, %mul3A_474 : vector<1x4096xf32>
    %mul3A_476 = arith.constant 2.000000e+00 : f32
    %mul3A_477 = vector.broadcast %mul3A_476 : f32 to vector<1x4096xf32>
    %mul3A_478 = arith.mulf %mul3A_477, %slice3A_425 : vector<1x4096xf32>
    %mul3A_479 = arith.mulf %mul3A_478, %slice3A_427 : vector<1x4096xf32>
    %slice3A_480 = vector.extract_strided_slice %dot_general3A_104 {offsets = [0, 2], sizes = [1, 1], strides = [1, 1]} : vector<4x4xf32> to vector<1x1xf32>
    %mul3A_481 = vector.broadcast %slice3A_480 : vector<1x1xf32> to vector<1x4096xf32>
    %mul3A_482 = arith.mulf %mul3A_479, %mul3A_481 : vector<1x4096xf32>
    %add3A_483 = arith.addf %add3A_475, %mul3A_482 : vector<1x4096xf32>
    %mul3A_484 = arith.constant 2.000000e+00 : f32
    %mul3A_485 = vector.broadcast %mul3A_484 : f32 to vector<1x4096xf32>
    %mul3A_486 = arith.mulf %mul3A_485, %slice3A_425 : vector<1x4096xf32>
    %mul3A_487 = arith.mulf %mul3A_486, %slice3A_428 : vector<1x4096xf32>
    %slice3A_488 = vector.extract_strided_slice %dot_general3A_104 {offsets = [0, 3], sizes = [1, 1], strides = [1, 1]} : vector<4x4xf32> to vector<1x1xf32>
    %mul3A_489 = vector.broadcast %slice3A_488 : vector<1x1xf32> to vector<1x4096xf32>
    %mul3A_490 = arith.mulf %mul3A_487, %mul3A_489 : vector<1x4096xf32>
    %add3A_491 = arith.addf %add3A_483, %mul3A_490 : vector<1x4096xf32>
    %mul3A_492 = arith.constant 2.000000e+00 : f32
    %mul3A_493 = vector.broadcast %mul3A_492 : f32 to vector<1x4096xf32>
    %mul3A_494 = arith.mulf %mul3A_493, %slice3A_426 : vector<1x4096xf32>
    %slice3A_495 = vector.extract_strided_slice %dot_general3A_106 {offsets = [1, 0], sizes = [1, 1], strides = [1, 1]} : vector<4x1xf32> to vector<1x1xf32>
    %mul3A_496 = vector.broadcast %slice3A_495 : vector<1x1xf32> to vector<1x4096xf32>
    %mul3A_497 = arith.mulf %mul3A_494, %mul3A_496 : vector<1x4096xf32>
    %add3A_498 = arith.addf %add3A_491, %mul3A_497 : vector<1x4096xf32>
    %mul3A_499 = arith.mulf %slice3A_426, %slice3A_426 : vector<1x4096xf32>
    %slice3A_500 = vector.extract_strided_slice %dot_general3A_104 {offsets = [1, 1], sizes = [1, 1], strides = [1, 1]} : vector<4x4xf32> to vector<1x1xf32>
    %mul3A_501 = vector.broadcast %slice3A_500 : vector<1x1xf32> to vector<1x4096xf32>
    %mul3A_502 = arith.mulf %mul3A_499, %mul3A_501 : vector<1x4096xf32>
    %add3A_503 = arith.addf %add3A_498, %mul3A_502 : vector<1x4096xf32>
    %mul3A_504 = arith.constant 2.000000e+00 : f32
    %mul3A_505 = vector.broadcast %mul3A_504 : f32 to vector<1x4096xf32>
    %mul3A_506 = arith.mulf %mul3A_505, %slice3A_426 : vector<1x4096xf32>
    %mul3A_507 = arith.mulf %mul3A_506, %slice3A_427 : vector<1x4096xf32>
    %slice3A_508 = vector.extract_strided_slice %dot_general3A_104 {offsets = [1, 2], sizes = [1, 1], strides = [1, 1]} : vector<4x4xf32> to vector<1x1xf32>
    %mul3A_509 = vector.broadcast %slice3A_508 : vector<1x1xf32> to vector<1x4096xf32>
    %mul3A_510 = arith.mulf %mul3A_507, %mul3A_509 : vector<1x4096xf32>
    %add3A_511 = arith.addf %add3A_503, %mul3A_510 : vector<1x4096xf32>
    %mul3A_512 = arith.constant 2.000000e+00 : f32
    %mul3A_513 = vector.broadcast %mul3A_512 : f32 to vector<1x4096xf32>
    %mul3A_514 = arith.mulf %mul3A_513, %slice3A_426 : vector<1x4096xf32>
    %mul3A_515 = arith.mulf %mul3A_514, %slice3A_428 : vector<1x4096xf32>
    %slice3A_516 = vector.extract_strided_slice %dot_general3A_104 {offsets = [1, 3], sizes = [1, 1], strides = [1, 1]} : vector<4x4xf32> to vector<1x1xf32>
    %mul3A_517 = vector.broadcast %slice3A_516 : vector<1x1xf32> to vector<1x4096xf32>
    %mul3A_518 = arith.mulf %mul3A_515, %mul3A_517 : vector<1x4096xf32>
    %add3A_519 = arith.addf %add3A_511, %mul3A_518 : vector<1x4096xf32>
    %mul3A_520 = arith.constant 2.000000e+00 : f32
    %mul3A_521 = vector.broadcast %mul3A_520 : f32 to vector<1x4096xf32>
    %mul3A_522 = arith.mulf %mul3A_521, %slice3A_427 : vector<1x4096xf32>
    %slice3A_523 = vector.extract_strided_slice %dot_general3A_106 {offsets = [2, 0], sizes = [1, 1], strides = [1, 1]} : vector<4x1xf32> to vector<1x1xf32>
    %mul3A_524 = vector.broadcast %slice3A_523 : vector<1x1xf32> to vector<1x4096xf32>
    %mul3A_525 = arith.mulf %mul3A_522, %mul3A_524 : vector<1x4096xf32>
    %add3A_526 = arith.addf %add3A_519, %mul3A_525 : vector<1x4096xf32>
    %mul3A_527 = arith.mulf %slice3A_427, %slice3A_427 : vector<1x4096xf32>
    %slice3A_528 = vector.extract_strided_slice %dot_general3A_104 {offsets = [2, 2], sizes = [1, 1], strides = [1, 1]} : vector<4x4xf32> to vector<1x1xf32>
    %mul3A_529 = vector.broadcast %slice3A_528 : vector<1x1xf32> to vector<1x4096xf32>
    %mul3A_530 = arith.mulf %mul3A_527, %mul3A_529 : vector<1x4096xf32>
    %add3A_531 = arith.addf %add3A_526, %mul3A_530 : vector<1x4096xf32>
    %mul3A_532 = arith.constant 2.000000e+00 : f32
    %mul3A_533 = vector.broadcast %mul3A_532 : f32 to vector<1x4096xf32>
    %mul3A_534 = arith.mulf %mul3A_533, %slice3A_427 : vector<1x4096xf32>
    %mul3A_535 = arith.mulf %mul3A_534, %slice3A_428 : vector<1x4096xf32>
    %slice3A_536 = vector.extract_strided_slice %dot_general3A_104 {offsets = [2, 3], sizes = [1, 1], strides = [1, 1]} : vector<4x4xf32> to vector<1x1xf32>
    %mul3A_537 = vector.broadcast %slice3A_536 : vector<1x1xf32> to vector<1x4096xf32>
    %mul3A_538 = arith.mulf %mul3A_535, %mul3A_537 : vector<1x4096xf32>
    %add3A_539 = arith.addf %add3A_531, %mul3A_538 : vector<1x4096xf32>
    %mul3A_540 = arith.constant 2.000000e+00 : f32
    %mul3A_541 = vector.broadcast %mul3A_540 : f32 to vector<1x4096xf32>
    %mul3A_542 = arith.mulf %mul3A_541, %slice3A_428 : vector<1x4096xf32>
    %slice3A_543 = vector.extract_strided_slice %dot_general3A_106 {offsets = [3, 0], sizes = [1, 1], strides = [1, 1]} : vector<4x1xf32> to vector<1x1xf32>
    %mul3A_544 = vector.broadcast %slice3A_543 : vector<1x1xf32> to vector<1x4096xf32>
    %mul3A_545 = arith.mulf %mul3A_542, %mul3A_544 : vector<1x4096xf32>
    %add3A_546 = arith.addf %add3A_539, %mul3A_545 : vector<1x4096xf32>
    %mul3A_547 = arith.mulf %slice3A_428, %slice3A_428 : vector<1x4096xf32>
    %slice3A_548 = vector.extract_strided_slice %dot_general3A_104 {offsets = [3, 3], sizes = [1, 1], strides = [1, 1]} : vector<4x4xf32> to vector<1x1xf32>
    %mul3A_549 = vector.broadcast %slice3A_548 : vector<1x1xf32> to vector<1x4096xf32>
    %mul3A_550 = arith.mulf %mul3A_547, %mul3A_549 : vector<1x4096xf32>
    %add3A_551 = arith.addf %add3A_546, %mul3A_550 : vector<1x4096xf32>
    %mul3A_552 = arith.constant 1.562500e-02 : f32
    %mul3A_553 = vector.broadcast %mul3A_552 : f32 to vector<1x4096xf32>
    %mul3A_554 = arith.mulf %add3A_551, %mul3A_553 : vector<1x4096xf32>
    %mul3A_555 = arith.mulf %mul3A_451, %mul3A_451 : vector<1x4096xf32>
    %sub3A_556 = arith.subf %mul3A_554, %mul3A_555 : vector<1x4096xf32>
    %add3A_557 = arith.constant 9.99999974E-6 : f32
    %add3A_558 = vector.broadcast %add3A_557 : f32 to vector<1x4096xf32>
    %add3A_559 = arith.addf %sub3A_556, %add3A_558 : vector<1x4096xf32>
    %rsqrt3A_560 = math.rsqrt %add3A_559 : vector<1x4096xf32>
    %transpose3A_561 = tpu.transpose %mul3A_451, [1, 0] : vector<1x4096xf32> -> vector<4096x1xf32>
    %transpose3A_562 = tpu.transpose %rsqrt3A_560, [1, 0] : vector<1x4096xf32> -> vector<4096x1xf32>
    %sub3A_563 = vector.broadcast %transpose3A_561 : vector<4096x1xf32> to vector<4096x64xf32>
    %sub3A_564 = arith.subf %add3A_424, %sub3A_563 : vector<4096x64xf32>
    %mul3A_565 = vector.broadcast %transpose3A_562 : vector<4096x1xf32> to vector<4096x64xf32>
    %mul3A_566 = arith.mulf %sub3A_564, %mul3A_565 : vector<4096x64xf32>
    %mul3A_567 = vector.broadcast %get3A_7 : vector<1x64xf32> to vector<4096x64xf32>
    %mul3A_568 = arith.mulf %mul3A_566, %mul3A_567 : vector<4096x64xf32>
    %add3A_569 = vector.broadcast %get3A_10 : vector<1x64xf32> to vector<4096x64xf32>
    %add3A_570 = arith.addf %mul3A_568, %add3A_569 : vector<4096x64xf32>
    %add3A_571 = arith.addf %add3A_420, %add3A_570 : vector<4096x64xf32>
    %slice3A_572 = vector.extract_strided_slice %add3A_571 {offsets = [0, 0], sizes = [2048, 64], strides = [1, 1]} : vector<4096x64xf32> to vector<2048x64xf32>
    %slice3A_573 = vector.extract_strided_slice %add3A_571 {offsets = [2048, 0], sizes = [2048, 64], strides = [1, 1]} : vector<4096x64xf32> to vector<2048x64xf32>
    %iota3A_574 = tpu.iota {dimensions = array<i32: 0>} : vector<2048x1xi32>
    %add3A_575 = arith.constant 2048 : i32
    %add3A_576 = vector.broadcast %add3A_575 : i32 to vector<2048x1xi32>
    %add3A_577 = arith.addi %iota3A_574, %add3A_576 : vector<2048x1xi32>
    %lt3A_578 = arith.constant 64 : i32
    %lt3A_579 = vector.broadcast %lt3A_578 : i32 to vector<2048x1xi32>
    %lt3A_580 = arith.cmpi slt, %add3A_577, %lt3A_579 : vector<2048x1xi32>
    %jit3A_581 = arith.constant 64 : i32
    %eq3A_582 = arith.constant 0 : i32
    %eq3A_583 = arith.cmpi eq, %jit3A_581, %eq3A_582 : i32
    %jit3A_584 = arith.constant 1 : i32
    %select_n3A_585 = arith.select %eq3A_583, %jit3A_584, %jit3A_581 : i32
    %rem3A_586 = vector.broadcast %select_n3A_585 : i32 to vector<2048x1xi32>
    %rem3A_587 = arith.remsi %add3A_577, %rem3A_586 : vector<2048x1xi32>
    %ne3A_588 = arith.constant 0 : i32
    %ne3A_589 = vector.broadcast %ne3A_588 : i32 to vector<2048x1xi32>
    %ne3A_590 = arith.cmpi ne, %rem3A_587, %ne3A_589 : vector<2048x1xi32>
    %lt3A_591 = arith.constant 0 : i32
    %lt3A_592 = vector.broadcast %lt3A_591 : i32 to vector<2048x1xi32>
    %lt3A_593 = arith.cmpi slt, %rem3A_587, %lt3A_592 : vector<2048x1xi32>
    %lt3A_594 = arith.constant 0 : i32
    %lt3A_595 = arith.cmpi slt, %select_n3A_585, %lt3A_594 : i32
    %ne3A_596 = vector.broadcast %lt3A_595 : i1 to vector<2048x1xi1>
    %ne3A_597 = vector.broadcast %ne3A_596 : vector<2048x1xi1> to vector<2048x1xi1>
    %ne3A_598 = arith.xori %lt3A_593, %ne3A_597 : vector<2048x1xi1>
    %and3A_599 = arith.andi %ne3A_598, %ne3A_590 : vector<2048x1xi1>
    %add3A_600 = vector.broadcast %select_n3A_585 : i32 to vector<2048x1xi32>
    %add3A_601 = arith.addi %rem3A_587, %add3A_600 : vector<2048x1xi32>
    %select_n3A_602 = arith.select %and3A_599, %add3A_601, %rem3A_587 : vector<2048x1xi1>, vector<2048x1xi32>
    %eq3A_603 = arith.constant 0 : i32
    %eq3A_604 = vector.broadcast %eq3A_603 : i32 to vector<2048x1xi32>
    %eq3A_605 = arith.cmpi eq, %select_n3A_602, %eq3A_604 : vector<2048x1xi32>
    %or3A_606 = arith.ori %lt3A_580, %eq3A_605 : vector<2048x1xi1>
    %lt3A_607 = arith.constant 64 : i32
    %lt3A_608 = vector.broadcast %lt3A_607 : i32 to vector<2048x1xi32>
    %lt3A_609 = arith.cmpi slt, %add3A_577, %lt3A_608 : vector<2048x1xi32>
    %broadcast_in_dim3A_610 = vector.shape_cast %or3A_606 : vector<2048x1xi1> to vector<2048x1xi1>
    %broadcast_in_dim3A_611 = vector.broadcast %broadcast_in_dim3A_610 : vector<2048x1xi1> to vector<2048x64xi1>
    %broadcast_in_dim3A_612 = vector.shape_cast %get3A_13 : vector<1x64xf32> to vector<1x64xf32>
    %broadcast_in_dim3A_613 = vector.broadcast %broadcast_in_dim3A_612 : vector<1x64xf32> to vector<2048x64xf32>
    %select_n3A_614 = arith.select %broadcast_in_dim3A_611, %broadcast_in_dim3A_613, %slice3A_572 : vector<2048x64xi1>, vector<2048x64xf32>
    %broadcast_in_dim3A_615 = vector.shape_cast %lt3A_609 : vector<2048x1xi1> to vector<2048x1xi1>
    %broadcast_in_dim3A_616 = vector.broadcast %broadcast_in_dim3A_615 : vector<2048x1xi1> to vector<2048x64xi1>
    %broadcast_in_dim3A_617 = vector.shape_cast %get3A_13 : vector<1x64xf32> to vector<1x64xf32>
    %broadcast_in_dim3A_618 = vector.broadcast %broadcast_in_dim3A_617 : vector<1x64xf32> to vector<2048x64xf32>
    %select_n3A_619 = arith.select %broadcast_in_dim3A_616, %broadcast_in_dim3A_618, %slice3A_573 : vector<2048x64xi1>, vector<2048x64xf32>
    %concatenate3A_620 = tpu.concatenate %select_n3A_614, %select_n3A_619 in 1 : vector<2048x64xf32>, vector<2048x64xf32> -> vector<2048x128xf32>
    %swap3A_621 = arith.constant 0 : index
    %swap3A_622 = arith.constant 2048 : index
    %swap3A_623 = arith.constant 0 : index
    %swap3A_624 = vector.load %arg27[%swap3A_621, %swap3A_622, %swap3A_623] : memref<1x8192x128xf32, #tpu.memory_space<vmem>>, vector<1x2048x128xf32>
    %swap3A_625 = vector.shape_cast %swap3A_624 : vector<1x2048x128xf32> to vector<2048x128xf32>
    %swap3A_626 = vector.shape_cast %concatenate3A_620 : vector<2048x128xf32> to vector<1x2048x128xf32>
    tpu.vector_store %arg27[%swap3A_621, %swap3A_622, %swap3A_623], %swap3A_626 {strides = array<i32>} : memref<1x8192x128xf32, #tpu.memory_space<vmem>>, vector<1x2048x128xf32>,
    %get3A_627 = arith.constant 0 : index
    %get3A_628 = arith.constant 0 : index
    %get3A_629 = arith.constant 4096 : index
    %get3A_630 = vector.load %arg1[%get3A_627, %get3A_628, %get3A_629] : memref<1x4x8192xi32, #tpu.memory_space<vmem>>, vector<1x1x2048xi32>
    %get3A_631 = vector.shape_cast %get3A_630 : vector<1x1x2048xi32> to vector<1x2048xi32>
    %mul3A_632 = arith.constant 16 : i32
    %mul3A_633 = vector.broadcast %mul3A_632 : i32 to vector<1x2048xi32>
    %mul3A_634 = arith.muli %get3A_631, %mul3A_633 : vector<1x2048xi32>
    %get3A_635 = arith.constant 0 : index
    %get3A_636 = arith.constant 1 : index
    %get3A_637 = arith.constant 4096 : index
    %get3A_638 = vector.load %arg1[%get3A_635, %get3A_636, %get3A_637] : memref<1x4x8192xi32, #tpu.memory_space<vmem>>, vector<1x1x2048xi32>
    %get3A_639 = vector.shape_cast %get3A_638 : vector<1x1x2048xi32> to vector<1x2048xi32>
    %add3A_640 = arith.addi %mul3A_634, %get3A_639 : vector<1x2048xi32>
    %get3A_641 = arith.constant 0 : index
    %get3A_642 = arith.constant 2 : index
    %get3A_643 = arith.constant 4096 : index
    %get3A_644 = vector.load %arg1[%get3A_641, %get3A_642, %get3A_643] : memref<1x4x8192xi32, #tpu.memory_space<vmem>>, vector<1x1x2048xi32>
    %get3A_645 = vector.shape_cast %get3A_644 : vector<1x1x2048xi32> to vector<1x2048xi32>
    %mul3A_646 = arith.constant 16 : i32
    %mul3A_647 = vector.broadcast %mul3A_646 : i32 to vector<1x2048xi32>
    %mul3A_648 = arith.muli %get3A_645, %mul3A_647 : vector<1x2048xi32>
    %get3A_649 = arith.constant 0 : index
    %get3A_650 = arith.constant 3 : index
    %get3A_651 = arith.constant 4096 : index
    %get3A_652 = vector.load %arg1[%get3A_649, %get3A_650, %get3A_651] : memref<1x4x8192xi32, #tpu.memory_space<vmem>>, vector<1x1x2048xi32>
    %get3A_653 = vector.shape_cast %get3A_652 : vector<1x1x2048xi32> to vector<1x2048xi32>
    %add3A_654 = arith.addi %mul3A_648, %get3A_653 : vector<1x2048xi32>
    %concatenate3A_655 = tpu.concatenate %add3A_640, %add3A_654 in 1 : vector<1x2048xi32>, vector<1x2048xi32> -> vector<1x4096xi32>
    %get3A_656 = arith.constant 0 : index
    %get3A_657 = arith.constant 0 : index
    %get3A_658 = arith.constant 4096 : index
    %get3A_659 = vector.load %arg2[%get3A_656, %get3A_657, %get3A_658] : memref<1x8x8192xf32, #tpu.memory_space<vmem>>, vector<1x4x2048xf32>
    %get3A_660 = vector.shape_cast %get3A_659 : vector<1x4x2048xf32> to vector<4x2048xf32>
    %get3A_661 = arith.constant 0 : index
    %get3A_662 = arith.constant 4 : index
    %get3A_663 = arith.constant 4096 : index
    %get3A_664 = vector.load %arg2[%get3A_661, %get3A_662, %get3A_663] : memref<1x8x8192xf32, #tpu.memory_space<vmem>>, vector<1x4x2048xf32>
    %get3A_665 = vector.shape_cast %get3A_664 : vector<1x4x2048xf32> to vector<4x2048xf32>
    %concatenate3A_666 = tpu.concatenate %get3A_660, %get3A_665 in 1 : vector<4x2048xf32>, vector<4x2048xf32> -> vector<4x4096xf32>
    %iota3A_667 = tpu.iota {dimensions = array<i32: 0>} : vector<256x4096xi32>
    %eq3A_668 = vector.broadcast %concatenate3A_655 : vector<1x4096xi32> to vector<256x4096xi32>
    %eq3A_669 = arith.cmpi eq, %iota3A_667, %eq3A_668 : vector<256x4096xi32>
    %convert_element_type3A_670 = arith.extui %eq3A_669 : vector<256x4096xi1> to vector<256x4096xi32>
    %convert_element_type3A_671 = arith.sitofp %convert_element_type3A_670 : vector<256x4096xi32> to vector<256x4096xf32>
    %convert_element_type3A_672 = arith.truncf %convert_element_type3A_671 : vector<256x4096xf32> to vector<256x4096xbf16>
    %dot_general3A_673 = arith.constant dense<0.000000e+00> : vector<4096x64xf32>
    %dot_general3A_674 = tpu.matmul %convert_element_type3A_672, %convert_element_type3A_99, %dot_general3A_673 {dimension_numbers = #tpu.dot_dimension_numbers<[0], [0], [1], [1], [0, 1, 1, 1], [], []>, transpose_lhs_hint = false} : vector<256x4096xbf16>, vector<256x64xbf16>, vector<4096x64xf32> -> vector<4096x64xf32>
    %dot_general3A_675 = arith.constant dense<0.000000e+00> : vector<4096x64xf32>
    %dot_general3A_676 = tpu.matmul %convert_element_type3A_672, %convert_element_type3A_102, %dot_general3A_675 {dimension_numbers = #tpu.dot_dimension_numbers<[0], [0], [1], [1], [0, 1, 1, 1], [], []>, transpose_lhs_hint = false} : vector<256x4096xbf16>, vector<256x64xbf16>, vector<4096x64xf32> -> vector<4096x64xf32>
    %add3A_677 = arith.addf %dot_general3A_674, %dot_general3A_676 : vector<4096x64xf32>
    %dot_general3A_678 = arith.constant dense<0.000000e+00> : vector<4096x64xf32>
    %dot_general3A_679 = tpu.matmul %concatenate3A_666, %get3A_1, %dot_general3A_678 {dimension_numbers = #tpu.dot_dimension_numbers<[0], [0], [1], [1], [0, 1, 1, 1], [], []>, precision = #tpu.contract_precision<fp32>, transpose_lhs_hint = false} : vector<4x4096xf32>, vector<4x64xf32>, vector<4096x64xf32> -> vector<4096x64xf32>
    %add3A_680 = vector.broadcast %get3A_4 : vector<1x64xf32> to vector<4096x64xf32>
    %add3A_681 = arith.addf %dot_general3A_679, %add3A_680 : vector<4096x64xf32>
    %slice3A_682 = vector.extract_strided_slice %concatenate3A_666 {offsets = [0, 0], sizes = [1, 4096], strides = [1, 1]} : vector<4x4096xf32> to vector<1x4096xf32>
    %slice3A_683 = vector.extract_strided_slice %concatenate3A_666 {offsets = [1, 0], sizes = [1, 4096], strides = [1, 1]} : vector<4x4096xf32> to vector<1x4096xf32>
    %slice3A_684 = vector.extract_strided_slice %concatenate3A_666 {offsets = [2, 0], sizes = [1, 4096], strides = [1, 1]} : vector<4x4096xf32> to vector<1x4096xf32>
    %slice3A_685 = vector.extract_strided_slice %concatenate3A_666 {offsets = [3, 0], sizes = [1, 4096], strides = [1, 1]} : vector<4x4096xf32> to vector<1x4096xf32>
    %broadcast_in_dim3A_686 = arith.constant 0.000000e+00 : f32
    %broadcast_in_dim3A_687 = vector.broadcast %broadcast_in_dim3A_686 : f32 to vector<1x4096xf32>
    %add3A_688 = vector.broadcast %broadcast_in_dim3A_116 : vector<1x1xf32> to vector<1x4096xf32>
    %add3A_689 = arith.addf %broadcast_in_dim3A_687, %add3A_688 : vector<1x4096xf32>
    %slice3A_690 = vector.extract_strided_slice %broadcast_in_dim3A_109 {offsets = [0, 0], sizes = [1, 1], strides = [1, 1]} : vector<4x1xf32> to vector<1x1xf32>
    %mul3A_691 = vector.broadcast %slice3A_690 : vector<1x1xf32> to vector<1x4096xf32>
    %mul3A_692 = arith.mulf %slice3A_682, %mul3A_691 : vector<1x4096xf32>
    %add3A_693 = arith.addf %add3A_689, %mul3A_692 : vector<1x4096xf32>
    %slice3A_694 = vector.extract_strided_slice %broadcast_in_dim3A_109 {offsets = [1, 0], sizes = [1, 1], strides = [1, 1]} : vector<4x1xf32> to vector<1x1xf32>
    %mul3A_695 = vector.broadcast %slice3A_694 : vector<1x1xf32> to vector<1x4096xf32>
    %mul3A_696 = arith.mulf %slice3A_683, %mul3A_695 : vector<1x4096xf32>
    %add3A_697 = arith.addf %add3A_693, %mul3A_696 : vector<1x4096xf32>
    %slice3A_698 = vector.extract_strided_slice %broadcast_in_dim3A_109 {offsets = [2, 0], sizes = [1, 1], strides = [1, 1]} : vector<4x1xf32> to vector<1x1xf32>
    %mul3A_699 = vector.broadcast %slice3A_698 : vector<1x1xf32> to vector<1x4096xf32>
    %mul3A_700 = arith.mulf %slice3A_684, %mul3A_699 : vector<1x4096xf32>
    %add3A_701 = arith.addf %add3A_697, %mul3A_700 : vector<1x4096xf32>
    %slice3A_702 = vector.extract_strided_slice %broadcast_in_dim3A_109 {offsets = [3, 0], sizes = [1, 1], strides = [1, 1]} : vector<4x1xf32> to vector<1x1xf32>
    %mul3A_703 = vector.broadcast %slice3A_702 : vector<1x1xf32> to vector<1x4096xf32>
    %mul3A_704 = arith.mulf %slice3A_685, %mul3A_703 : vector<1x4096xf32>
    %add3A_705 = arith.addf %add3A_701, %mul3A_704 : vector<1x4096xf32>
    %mul3A_706 = arith.constant 1.562500e-02 : f32
    %mul3A_707 = vector.broadcast %mul3A_706 : f32 to vector<1x4096xf32>
    %mul3A_708 = arith.mulf %add3A_705, %mul3A_707 : vector<1x4096xf32>
    %broadcast_in_dim3A_709 = arith.constant 0.000000e+00 : f32
    %broadcast_in_dim3A_710 = vector.broadcast %broadcast_in_dim3A_709 : f32 to vector<1x4096xf32>
    %add3A_711 = vector.broadcast %broadcast_in_dim3A_113 : vector<1x1xf32> to vector<1x4096xf32>
    %add3A_712 = arith.addf %broadcast_in_dim3A_710, %add3A_711 : vector<1x4096xf32>
    %mul3A_713 = arith.constant 2.000000e+00 : f32
    %mul3A_714 = vector.broadcast %mul3A_713 : f32 to vector<1x4096xf32>
    %mul3A_715 = arith.mulf %mul3A_714, %slice3A_682 : vector<1x4096xf32>
    %slice3A_716 = vector.extract_strided_slice %dot_general3A_106 {offsets = [0, 0], sizes = [1, 1], strides = [1, 1]} : vector<4x1xf32> to vector<1x1xf32>
    %mul3A_717 = vector.broadcast %slice3A_716 : vector<1x1xf32> to vector<1x4096xf32>
    %mul3A_718 = arith.mulf %mul3A_715, %mul3A_717 : vector<1x4096xf32>
    %add3A_719 = arith.addf %add3A_712, %mul3A_718 : vector<1x4096xf32>
    %mul3A_720 = arith.mulf %slice3A_682, %slice3A_682 : vector<1x4096xf32>
    %slice3A_721 = vector.extract_strided_slice %dot_general3A_104 {offsets = [0, 0], sizes = [1, 1], strides = [1, 1]} : vector<4x4xf32> to vector<1x1xf32>
    %mul3A_722 = vector.broadcast %slice3A_721 : vector<1x1xf32> to vector<1x4096xf32>
    %mul3A_723 = arith.mulf %mul3A_720, %mul3A_722 : vector<1x4096xf32>
    %add3A_724 = arith.addf %add3A_719, %mul3A_723 : vector<1x4096xf32>
    %mul3A_725 = arith.constant 2.000000e+00 : f32
    %mul3A_726 = vector.broadcast %mul3A_725 : f32 to vector<1x4096xf32>
    %mul3A_727 = arith.mulf %mul3A_726, %slice3A_682 : vector<1x4096xf32>
    %mul3A_728 = arith.mulf %mul3A_727, %slice3A_683 : vector<1x4096xf32>
    %slice3A_729 = vector.extract_strided_slice %dot_general3A_104 {offsets = [0, 1], sizes = [1, 1], strides = [1, 1]} : vector<4x4xf32> to vector<1x1xf32>
    %mul3A_730 = vector.broadcast %slice3A_729 : vector<1x1xf32> to vector<1x4096xf32>
    %mul3A_731 = arith.mulf %mul3A_728, %mul3A_730 : vector<1x4096xf32>
    %add3A_732 = arith.addf %add3A_724, %mul3A_731 : vector<1x4096xf32>
    %mul3A_733 = arith.constant 2.000000e+00 : f32
    %mul3A_734 = vector.broadcast %mul3A_733 : f32 to vector<1x4096xf32>
    %mul3A_735 = arith.mulf %mul3A_734, %slice3A_682 : vector<1x4096xf32>
    %mul3A_736 = arith.mulf %mul3A_735, %slice3A_684 : vector<1x4096xf32>
    %slice3A_737 = vector.extract_strided_slice %dot_general3A_104 {offsets = [0, 2], sizes = [1, 1], strides = [1, 1]} : vector<4x4xf32> to vector<1x1xf32>
    %mul3A_738 = vector.broadcast %slice3A_737 : vector<1x1xf32> to vector<1x4096xf32>
    %mul3A_739 = arith.mulf %mul3A_736, %mul3A_738 : vector<1x4096xf32>
    %add3A_740 = arith.addf %add3A_732, %mul3A_739 : vector<1x4096xf32>
    %mul3A_741 = arith.constant 2.000000e+00 : f32
    %mul3A_742 = vector.broadcast %mul3A_741 : f32 to vector<1x4096xf32>
    %mul3A_743 = arith.mulf %mul3A_742, %slice3A_682 : vector<1x4096xf32>
    %mul3A_744 = arith.mulf %mul3A_743, %slice3A_685 : vector<1x4096xf32>
    %slice3A_745 = vector.extract_strided_slice %dot_general3A_104 {offsets = [0, 3], sizes = [1, 1], strides = [1, 1]} : vector<4x4xf32> to vector<1x1xf32>
    %mul3A_746 = vector.broadcast %slice3A_745 : vector<1x1xf32> to vector<1x4096xf32>
    %mul3A_747 = arith.mulf %mul3A_744, %mul3A_746 : vector<1x4096xf32>
    %add3A_748 = arith.addf %add3A_740, %mul3A_747 : vector<1x4096xf32>
    %mul3A_749 = arith.constant 2.000000e+00 : f32
    %mul3A_750 = vector.broadcast %mul3A_749 : f32 to vector<1x4096xf32>
    %mul3A_751 = arith.mulf %mul3A_750, %slice3A_683 : vector<1x4096xf32>
    %slice3A_752 = vector.extract_strided_slice %dot_general3A_106 {offsets = [1, 0], sizes = [1, 1], strides = [1, 1]} : vector<4x1xf32> to vector<1x1xf32>
    %mul3A_753 = vector.broadcast %slice3A_752 : vector<1x1xf32> to vector<1x4096xf32>
    %mul3A_754 = arith.mulf %mul3A_751, %mul3A_753 : vector<1x4096xf32>
    %add3A_755 = arith.addf %add3A_748, %mul3A_754 : vector<1x4096xf32>
    %mul3A_756 = arith.mulf %slice3A_683, %slice3A_683 : vector<1x4096xf32>
    %slice3A_757 = vector.extract_strided_slice %dot_general3A_104 {offsets = [1, 1], sizes = [1, 1], strides = [1, 1]} : vector<4x4xf32> to vector<1x1xf32>
    %mul3A_758 = vector.broadcast %slice3A_757 : vector<1x1xf32> to vector<1x4096xf32>
    %mul3A_759 = arith.mulf %mul3A_756, %mul3A_758 : vector<1x4096xf32>
    %add3A_760 = arith.addf %add3A_755, %mul3A_759 : vector<1x4096xf32>
    %mul3A_761 = arith.constant 2.000000e+00 : f32
    %mul3A_762 = vector.broadcast %mul3A_761 : f32 to vector<1x4096xf32>
    %mul3A_763 = arith.mulf %mul3A_762, %slice3A_683 : vector<1x4096xf32>
    %mul3A_764 = arith.mulf %mul3A_763, %slice3A_684 : vector<1x4096xf32>
    %slice3A_765 = vector.extract_strided_slice %dot_general3A_104 {offsets = [1, 2], sizes = [1, 1], strides = [1, 1]} : vector<4x4xf32> to vector<1x1xf32>
    %mul3A_766 = vector.broadcast %slice3A_765 : vector<1x1xf32> to vector<1x4096xf32>
    %mul3A_767 = arith.mulf %mul3A_764, %mul3A_766 : vector<1x4096xf32>
    %add3A_768 = arith.addf %add3A_760, %mul3A_767 : vector<1x4096xf32>
    %mul3A_769 = arith.constant 2.000000e+00 : f32
    %mul3A_770 = vector.broadcast %mul3A_769 : f32 to vector<1x4096xf32>
    %mul3A_771 = arith.mulf %mul3A_770, %slice3A_683 : vector<1x4096xf32>
    %mul3A_772 = arith.mulf %mul3A_771, %slice3A_685 : vector<1x4096xf32>
    %slice3A_773 = vector.extract_strided_slice %dot_general3A_104 {offsets = [1, 3], sizes = [1, 1], strides = [1, 1]} : vector<4x4xf32> to vector<1x1xf32>
    %mul3A_774 = vector.broadcast %slice3A_773 : vector<1x1xf32> to vector<1x4096xf32>
    %mul3A_775 = arith.mulf %mul3A_772, %mul3A_774 : vector<1x4096xf32>
    %add3A_776 = arith.addf %add3A_768, %mul3A_775 : vector<1x4096xf32>
    %mul3A_777 = arith.constant 2.000000e+00 : f32
    %mul3A_778 = vector.broadcast %mul3A_777 : f32 to vector<1x4096xf32>
    %mul3A_779 = arith.mulf %mul3A_778, %slice3A_684 : vector<1x4096xf32>
    %slice3A_780 = vector.extract_strided_slice %dot_general3A_106 {offsets = [2, 0], sizes = [1, 1], strides = [1, 1]} : vector<4x1xf32> to vector<1x1xf32>
    %mul3A_781 = vector.broadcast %slice3A_780 : vector<1x1xf32> to vector<1x4096xf32>
    %mul3A_782 = arith.mulf %mul3A_779, %mul3A_781 : vector<1x4096xf32>
    %add3A_783 = arith.addf %add3A_776, %mul3A_782 : vector<1x4096xf32>
    %mul3A_784 = arith.mulf %slice3A_684, %slice3A_684 : vector<1x4096xf32>
    %slice3A_785 = vector.extract_strided_slice %dot_general3A_104 {offsets = [2, 2], sizes = [1, 1], strides = [1, 1]} : vector<4x4xf32> to vector<1x1xf32>
    %mul3A_786 = vector.broadcast %slice3A_785 : vector<1x1xf32> to vector<1x4096xf32>
    %mul3A_787 = arith.mulf %mul3A_784, %mul3A_786 : vector<1x4096xf32>
    %add3A_788 = arith.addf %add3A_783, %mul3A_787 : vector<1x4096xf32>
    %mul3A_789 = arith.constant 2.000000e+00 : f32
    %mul3A_790 = vector.broadcast %mul3A_789 : f32 to vector<1x4096xf32>
    %mul3A_791 = arith.mulf %mul3A_790, %slice3A_684 : vector<1x4096xf32>
    %mul3A_792 = arith.mulf %mul3A_791, %slice3A_685 : vector<1x4096xf32>
    %slice3A_793 = vector.extract_strided_slice %dot_general3A_104 {offsets = [2, 3], sizes = [1, 1], strides = [1, 1]} : vector<4x4xf32> to vector<1x1xf32>
    %mul3A_794 = vector.broadcast %slice3A_793 : vector<1x1xf32> to vector<1x4096xf32>
    %mul3A_795 = arith.mulf %mul3A_792, %mul3A_794 : vector<1x4096xf32>
    %add3A_796 = arith.addf %add3A_788, %mul3A_795 : vector<1x4096xf32>
    %mul3A_797 = arith.constant 2.000000e+00 : f32
    %mul3A_798 = vector.broadcast %mul3A_797 : f32 to vector<1x4096xf32>
    %mul3A_799 = arith.mulf %mul3A_798, %slice3A_685 : vector<1x4096xf32>
    %slice3A_800 = vector.extract_strided_slice %dot_general3A_106 {offsets = [3, 0], sizes = [1, 1], strides = [1, 1]} : vector<4x1xf32> to vector<1x1xf32>
    %mul3A_801 = vector.broadcast %slice3A_800 : vector<1x1xf32> to vector<1x4096xf32>
    %mul3A_802 = arith.mulf %mul3A_799, %mul3A_801 : vector<1x4096xf32>
    %add3A_803 = arith.addf %add3A_796, %mul3A_802 : vector<1x4096xf32>
    %mul3A_804 = arith.mulf %slice3A_685, %slice3A_685 : vector<1x4096xf32>
    %slice3A_805 = vector.extract_strided_slice %dot_general3A_104 {offsets = [3, 3], sizes = [1, 1], strides = [1, 1]} : vector<4x4xf32> to vector<1x1xf32>
    %mul3A_806 = vector.broadcast %slice3A_805 : vector<1x1xf32> to vector<1x4096xf32>
    %mul3A_807 = arith.mulf %mul3A_804, %mul3A_806 : vector<1x4096xf32>
    %add3A_808 = arith.addf %add3A_803, %mul3A_807 : vector<1x4096xf32>
    %mul3A_809 = arith.constant 1.562500e-02 : f32
    %mul3A_810 = vector.broadcast %mul3A_809 : f32 to vector<1x4096xf32>
    %mul3A_811 = arith.mulf %add3A_808, %mul3A_810 : vector<1x4096xf32>
    %mul3A_812 = arith.mulf %mul3A_708, %mul3A_708 : vector<1x4096xf32>
    %sub3A_813 = arith.subf %mul3A_811, %mul3A_812 : vector<1x4096xf32>
    %add3A_814 = arith.constant 9.99999974E-6 : f32
    %add3A_815 = vector.broadcast %add3A_814 : f32 to vector<1x4096xf32>
    %add3A_816 = arith.addf %sub3A_813, %add3A_815 : vector<1x4096xf32>
    %rsqrt3A_817 = math.rsqrt %add3A_816 : vector<1x4096xf32>
    %transpose3A_818 = tpu.transpose %mul3A_708, [1, 0] : vector<1x4096xf32> -> vector<4096x1xf32>
    %transpose3A_819 = tpu.transpose %rsqrt3A_817, [1, 0] : vector<1x4096xf32> -> vector<4096x1xf32>
    %sub3A_820 = vector.broadcast %transpose3A_818 : vector<4096x1xf32> to vector<4096x64xf32>
    %sub3A_821 = arith.subf %add3A_681, %sub3A_820 : vector<4096x64xf32>
    %mul3A_822 = vector.broadcast %transpose3A_819 : vector<4096x1xf32> to vector<4096x64xf32>
    %mul3A_823 = arith.mulf %sub3A_821, %mul3A_822 : vector<4096x64xf32>
    %mul3A_824 = vector.broadcast %get3A_7 : vector<1x64xf32> to vector<4096x64xf32>
    %mul3A_825 = arith.mulf %mul3A_823, %mul3A_824 : vector<4096x64xf32>
    %add3A_826 = vector.broadcast %get3A_10 : vector<1x64xf32> to vector<4096x64xf32>
    %add3A_827 = arith.addf %mul3A_825, %add3A_826 : vector<4096x64xf32>
    %add3A_828 = arith.addf %add3A_677, %add3A_827 : vector<4096x64xf32>
    %slice3A_829 = vector.extract_strided_slice %add3A_828 {offsets = [0, 0], sizes = [2048, 64], strides = [1, 1]} : vector<4096x64xf32> to vector<2048x64xf32>
    %slice3A_830 = vector.extract_strided_slice %add3A_828 {offsets = [2048, 0], sizes = [2048, 64], strides = [1, 1]} : vector<4096x64xf32> to vector<2048x64xf32>
    %iota3A_831 = tpu.iota {dimensions = array<i32: 0>} : vector<2048x1xi32>
    %add3A_832 = arith.constant 4096 : i32
    %add3A_833 = vector.broadcast %add3A_832 : i32 to vector<2048x1xi32>
    %add3A_834 = arith.addi %iota3A_831, %add3A_833 : vector<2048x1xi32>
    %lt3A_835 = arith.constant 64 : i32
    %lt3A_836 = vector.broadcast %lt3A_835 : i32 to vector<2048x1xi32>
    %lt3A_837 = arith.cmpi slt, %add3A_834, %lt3A_836 : vector<2048x1xi32>
    %jit3A_838 = arith.constant 64 : i32
    %eq3A_839 = arith.constant 0 : i32
    %eq3A_840 = arith.cmpi eq, %jit3A_838, %eq3A_839 : i32
    %jit3A_841 = arith.constant 1 : i32
    %select_n3A_842 = arith.select %eq3A_840, %jit3A_841, %jit3A_838 : i32
    %rem3A_843 = vector.broadcast %select_n3A_842 : i32 to vector<2048x1xi32>
    %rem3A_844 = arith.remsi %add3A_834, %rem3A_843 : vector<2048x1xi32>
    %ne3A_845 = arith.constant 0 : i32
    %ne3A_846 = vector.broadcast %ne3A_845 : i32 to vector<2048x1xi32>
    %ne3A_847 = arith.cmpi ne, %rem3A_844, %ne3A_846 : vector<2048x1xi32>
    %lt3A_848 = arith.constant 0 : i32
    %lt3A_849 = vector.broadcast %lt3A_848 : i32 to vector<2048x1xi32>
    %lt3A_850 = arith.cmpi slt, %rem3A_844, %lt3A_849 : vector<2048x1xi32>
    %lt3A_851 = arith.constant 0 : i32
    %lt3A_852 = arith.cmpi slt, %select_n3A_842, %lt3A_851 : i32
    %ne3A_853 = vector.broadcast %lt3A_852 : i1 to vector<2048x1xi1>
    %ne3A_854 = vector.broadcast %ne3A_853 : vector<2048x1xi1> to vector<2048x1xi1>
    %ne3A_855 = arith.xori %lt3A_850, %ne3A_854 : vector<2048x1xi1>
    %and3A_856 = arith.andi %ne3A_855, %ne3A_847 : vector<2048x1xi1>
    %add3A_857 = vector.broadcast %select_n3A_842 : i32 to vector<2048x1xi32>
    %add3A_858 = arith.addi %rem3A_844, %add3A_857 : vector<2048x1xi32>
    %select_n3A_859 = arith.select %and3A_856, %add3A_858, %rem3A_844 : vector<2048x1xi1>, vector<2048x1xi32>
    %eq3A_860 = arith.constant 0 : i32
    %eq3A_861 = vector.broadcast %eq3A_860 : i32 to vector<2048x1xi32>
    %eq3A_862 = arith.cmpi eq, %select_n3A_859, %eq3A_861 : vector<2048x1xi32>
    %or3A_863 = arith.ori %lt3A_837, %eq3A_862 : vector<2048x1xi1>
    %lt3A_864 = arith.constant 64 : i32
    %lt3A_865 = vector.broadcast %lt3A_864 : i32 to vector<2048x1xi32>
    %lt3A_866 = arith.cmpi slt, %add3A_834, %lt3A_865 : vector<2048x1xi32>
    %broadcast_in_dim3A_867 = vector.shape_cast %or3A_863 : vector<2048x1xi1> to vector<2048x1xi1>
    %broadcast_in_dim3A_868 = vector.broadcast %broadcast_in_dim3A_867 : vector<2048x1xi1> to vector<2048x64xi1>
    %broadcast_in_dim3A_869 = vector.shape_cast %get3A_13 : vector<1x64xf32> to vector<1x64xf32>
    %broadcast_in_dim3A_870 = vector.broadcast %broadcast_in_dim3A_869 : vector<1x64xf32> to vector<2048x64xf32>
    %select_n3A_871 = arith.select %broadcast_in_dim3A_868, %broadcast_in_dim3A_870, %slice3A_829 : vector<2048x64xi1>, vector<2048x64xf32>
    %broadcast_in_dim3A_872 = vector.shape_cast %lt3A_866 : vector<2048x1xi1> to vector<2048x1xi1>
    %broadcast_in_dim3A_873 = vector.broadcast %broadcast_in_dim3A_872 : vector<2048x1xi1> to vector<2048x64xi1>
    %broadcast_in_dim3A_874 = vector.shape_cast %get3A_13 : vector<1x64xf32> to vector<1x64xf32>
    %broadcast_in_dim3A_875 = vector.broadcast %broadcast_in_dim3A_874 : vector<1x64xf32> to vector<2048x64xf32>
    %select_n3A_876 = arith.select %broadcast_in_dim3A_873, %broadcast_in_dim3A_875, %slice3A_830 : vector<2048x64xi1>, vector<2048x64xf32>
    %concatenate3A_877 = tpu.concatenate %select_n3A_871, %select_n3A_876 in 1 : vector<2048x64xf32>, vector<2048x64xf32> -> vector<2048x128xf32>
    %swap3A_878 = arith.constant 0 : index
    %swap3A_879 = arith.constant 4096 : index
    %swap3A_880 = arith.constant 0 : index
    %swap3A_881 = vector.load %arg27[%swap3A_878, %swap3A_879, %swap3A_880] : memref<1x8192x128xf32, #tpu.memory_space<vmem>>, vector<1x2048x128xf32>
    %swap3A_882 = vector.shape_cast %swap3A_881 : vector<1x2048x128xf32> to vector<2048x128xf32>
    %swap3A_883 = vector.shape_cast %concatenate3A_877 : vector<2048x128xf32> to vector<1x2048x128xf32>
    tpu.vector_store %arg27[%swap3A_878, %swap3A_879, %swap3A_880], %swap3A_883 {strides = array<i32>} : memref<1x8192x128xf32, #tpu.memory_space<vmem>>, vector<1x2048x128xf32>,
    %get3A_884 = arith.constant 0 : index
    %get3A_885 = arith.constant 0 : index
    %get3A_886 = arith.constant 6144 : index
    %get3A_887 = vector.load %arg1[%get3A_884, %get3A_885, %get3A_886] : memref<1x4x8192xi32, #tpu.memory_space<vmem>>, vector<1x1x2048xi32>
    %get3A_888 = vector.shape_cast %get3A_887 : vector<1x1x2048xi32> to vector<1x2048xi32>
    %mul3A_889 = arith.constant 16 : i32
    %mul3A_890 = vector.broadcast %mul3A_889 : i32 to vector<1x2048xi32>
    %mul3A_891 = arith.muli %get3A_888, %mul3A_890 : vector<1x2048xi32>
    %get3A_892 = arith.constant 0 : index
    %get3A_893 = arith.constant 1 : index
    %get3A_894 = arith.constant 6144 : index
    %get3A_895 = vector.load %arg1[%get3A_892, %get3A_893, %get3A_894] : memref<1x4x8192xi32, #tpu.memory_space<vmem>>, vector<1x1x2048xi32>
    %get3A_896 = vector.shape_cast %get3A_895 : vector<1x1x2048xi32> to vector<1x2048xi32>
    %add3A_897 = arith.addi %mul3A_891, %get3A_896 : vector<1x2048xi32>
    %get3A_898 = arith.constant 0 : index
    %get3A_899 = arith.constant 2 : index
    %get3A_900 = arith.constant 6144 : index
    %get3A_901 = vector.load %arg1[%get3A_898, %get3A_899, %get3A_900] : memref<1x4x8192xi32, #tpu.memory_space<vmem>>, vector<1x1x2048xi32>
    %get3A_902 = vector.shape_cast %get3A_901 : vector<1x1x2048xi32> to vector<1x2048xi32>
    %mul3A_903 = arith.constant 16 : i32
    %mul3A_904 = vector.broadcast %mul3A_903 : i32 to vector<1x2048xi32>
    %mul3A_905 = arith.muli %get3A_902, %mul3A_904 : vector<1x2048xi32>
    %get3A_906 = arith.constant 0 : index
    %get3A_907 = arith.constant 3 : index
    %get3A_908 = arith.constant 6144 : index
    %get3A_909 = vector.load %arg1[%get3A_906, %get3A_907, %get3A_908] : memref<1x4x8192xi32, #tpu.memory_space<vmem>>, vector<1x1x2048xi32>
    %get3A_910 = vector.shape_cast %get3A_909 : vector<1x1x2048xi32> to vector<1x2048xi32>
    %add3A_911 = arith.addi %mul3A_905, %get3A_910 : vector<1x2048xi32>
    %concatenate3A_912 = tpu.concatenate %add3A_897, %add3A_911 in 1 : vector<1x2048xi32>, vector<1x2048xi32> -> vector<1x4096xi32>
    %get3A_913 = arith.constant 0 : index
    %get3A_914 = arith.constant 0 : index
    %get3A_915 = arith.constant 6144 : index
    %get3A_916 = vector.load %arg2[%get3A_913, %get3A_914, %get3A_915] : memref<1x8x8192xf32, #tpu.memory_space<vmem>>, vector<1x4x2048xf32>
    %get3A_917 = vector.shape_cast %get3A_916 : vector<1x4x2048xf32> to vector<4x2048xf32>
    %get3A_918 = arith.constant 0 : index
    %get3A_919 = arith.constant 4 : index
    %get3A_920 = arith.constant 6144 : index
    %get3A_921 = vector.load %arg2[%get3A_918, %get3A_919, %get3A_920] : memref<1x8x8192xf32, #tpu.memory_space<vmem>>, vector<1x4x2048xf32>
    %get3A_922 = vector.shape_cast %get3A_921 : vector<1x4x2048xf32> to vector<4x2048xf32>
    %concatenate3A_923 = tpu.concatenate %get3A_917, %get3A_922 in 1 : vector<4x2048xf32>, vector<4x2048xf32> -> vector<4x4096xf32>
    %iota3A_924 = tpu.iota {dimensions = array<i32: 0>} : vector<256x4096xi32>
    %eq3A_925 = vector.broadcast %concatenate3A_912 : vector<1x4096xi32> to vector<256x4096xi32>
    %eq3A_926 = arith.cmpi eq, %iota3A_924, %eq3A_925 : vector<256x4096xi32>
    %convert_element_type3A_927 = arith.extui %eq3A_926 : vector<256x4096xi1> to vector<256x4096xi32>
    %convert_element_type3A_928 = arith.sitofp %convert_element_type3A_927 : vector<256x4096xi32> to vector<256x4096xf32>
    %convert_element_type3A_929 = arith.truncf %convert_element_type3A_928 : vector<256x4096xf32> to vector<256x4096xbf16>
    %dot_general3A_930 = arith.constant dense<0.000000e+00> : vector<4096x64xf32>
    %dot_general3A_931 = tpu.matmul %convert_element_type3A_929, %convert_element_type3A_99, %dot_general3A_930 {dimension_numbers = #tpu.dot_dimension_numbers<[0], [0], [1], [1], [0, 1, 1, 1], [], []>, transpose_lhs_hint = false} : vector<256x4096xbf16>, vector<256x64xbf16>, vector<4096x64xf32> -> vector<4096x64xf32>
    %dot_general3A_932 = arith.constant dense<0.000000e+00> : vector<4096x64xf32>
    %dot_general3A_933 = tpu.matmul %convert_element_type3A_929, %convert_element_type3A_102, %dot_general3A_932 {dimension_numbers = #tpu.dot_dimension_numbers<[0], [0], [1], [1], [0, 1, 1, 1], [], []>, transpose_lhs_hint = false} : vector<256x4096xbf16>, vector<256x64xbf16>, vector<4096x64xf32> -> vector<4096x64xf32>
    %add3A_934 = arith.addf %dot_general3A_931, %dot_general3A_933 : vector<4096x64xf32>
    %dot_general3A_935 = arith.constant dense<0.000000e+00> : vector<4096x64xf32>
    %dot_general3A_936 = tpu.matmul %concatenate3A_923, %get3A_1, %dot_general3A_935 {dimension_numbers = #tpu.dot_dimension_numbers<[0], [0], [1], [1], [0, 1, 1, 1], [], []>, precision = #tpu.contract_precision<fp32>, transpose_lhs_hint = false} : vector<4x4096xf32>, vector<4x64xf32>, vector<4096x64xf32> -> vector<4096x64xf32>
    %add3A_937 = vector.broadcast %get3A_4 : vector<1x64xf32> to vector<4096x64xf32>
    %add3A_938 = arith.addf %dot_general3A_936, %add3A_937 : vector<4096x64xf32>
    %slice3A_939 = vector.extract_strided_slice %concatenate3A_923 {offsets = [0, 0], sizes = [1, 4096], strides = [1, 1]} : vector<4x4096xf32> to vector<1x4096xf32>
    %slice3A_940 = vector.extract_strided_slice %concatenate3A_923 {offsets = [1, 0], sizes = [1, 4096], strides = [1, 1]} : vector<4x4096xf32> to vector<1x4096xf32>
    %slice3A_941 = vector.extract_strided_slice %concatenate3A_923 {offsets = [2, 0], sizes = [1, 4096], strides = [1, 1]} : vector<4x4096xf32> to vector<1x4096xf32>
    %slice3A_942 = vector.extract_strided_slice %concatenate3A_923 {offsets = [3, 0], sizes = [1, 4096], strides = [1, 1]} : vector<4x4096xf32> to vector<1x4096xf32>
    %broadcast_in_dim3A_943 = arith.constant 0.000000e+00 : f32
    %broadcast_in_dim3A_944 = vector.broadcast %broadcast_in_dim3A_943 : f32 to vector<1x4096xf32>
    %add3A_945 = vector.broadcast %broadcast_in_dim3A_116 : vector<1x1xf32> to vector<1x4096xf32>
    %add3A_946 = arith.addf %broadcast_in_dim3A_944, %add3A_945 : vector<1x4096xf32>
    %slice3A_947 = vector.extract_strided_slice %broadcast_in_dim3A_109 {offsets = [0, 0], sizes = [1, 1], strides = [1, 1]} : vector<4x1xf32> to vector<1x1xf32>
    %mul3A_948 = vector.broadcast %slice3A_947 : vector<1x1xf32> to vector<1x4096xf32>
    %mul3A_949 = arith.mulf %slice3A_939, %mul3A_948 : vector<1x4096xf32>
    %add3A_950 = arith.addf %add3A_946, %mul3A_949 : vector<1x4096xf32>
    %slice3A_951 = vector.extract_strided_slice %broadcast_in_dim3A_109 {offsets = [1, 0], sizes = [1, 1], strides = [1, 1]} : vector<4x1xf32> to vector<1x1xf32>
    %mul3A_952 = vector.broadcast %slice3A_951 : vector<1x1xf32> to vector<1x4096xf32>
    %mul3A_953 = arith.mulf %slice3A_940, %mul3A_952 : vector<1x4096xf32>
    %add3A_954 = arith.addf %add3A_950, %mul3A_953 : vector<1x4096xf32>
    %slice3A_955 = vector.extract_strided_slice %broadcast_in_dim3A_109 {offsets = [2, 0], sizes = [1, 1], strides = [1, 1]} : vector<4x1xf32> to vector<1x1xf32>
    %mul3A_956 = vector.broadcast %slice3A_955 : vector<1x1xf32> to vector<1x4096xf32>
    %mul3A_957 = arith.mulf %slice3A_941, %mul3A_956 : vector<1x4096xf32>
    %add3A_958 = arith.addf %add3A_954, %mul3A_957 : vector<1x4096xf32>
    %slice3A_959 = vector.extract_strided_slice %broadcast_in_dim3A_109 {offsets = [3, 0], sizes = [1, 1], strides = [1, 1]} : vector<4x1xf32> to vector<1x1xf32>
    %mul3A_960 = vector.broadcast %slice3A_959 : vector<1x1xf32> to vector<1x4096xf32>
    %mul3A_961 = arith.mulf %slice3A_942, %mul3A_960 : vector<1x4096xf32>
    %add3A_962 = arith.addf %add3A_958, %mul3A_961 : vector<1x4096xf32>
    %mul3A_963 = arith.constant 1.562500e-02 : f32
    %mul3A_964 = vector.broadcast %mul3A_963 : f32 to vector<1x4096xf32>
    %mul3A_965 = arith.mulf %add3A_962, %mul3A_964 : vector<1x4096xf32>
    %broadcast_in_dim3A_966 = arith.constant 0.000000e+00 : f32
    %broadcast_in_dim3A_967 = vector.broadcast %broadcast_in_dim3A_966 : f32 to vector<1x4096xf32>
    %add3A_968 = vector.broadcast %broadcast_in_dim3A_113 : vector<1x1xf32> to vector<1x4096xf32>
    %add3A_969 = arith.addf %broadcast_in_dim3A_967, %add3A_968 : vector<1x4096xf32>
    %mul3A_970 = arith.constant 2.000000e+00 : f32
    %mul3A_971 = vector.broadcast %mul3A_970 : f32 to vector<1x4096xf32>
    %mul3A_972 = arith.mulf %mul3A_971, %slice3A_939 : vector<1x4096xf32>
    %slice3A_973 = vector.extract_strided_slice %dot_general3A_106 {offsets = [0, 0], sizes = [1, 1], strides = [1, 1]} : vector<4x1xf32> to vector<1x1xf32>
    %mul3A_974 = vector.broadcast %slice3A_973 : vector<1x1xf32> to vector<1x4096xf32>
    %mul3A_975 = arith.mulf %mul3A_972, %mul3A_974 : vector<1x4096xf32>
    %add3A_976 = arith.addf %add3A_969, %mul3A_975 : vector<1x4096xf32>
    %mul3A_977 = arith.mulf %slice3A_939, %slice3A_939 : vector<1x4096xf32>
    %slice3A_978 = vector.extract_strided_slice %dot_general3A_104 {offsets = [0, 0], sizes = [1, 1], strides = [1, 1]} : vector<4x4xf32> to vector<1x1xf32>
    %mul3A_979 = vector.broadcast %slice3A_978 : vector<1x1xf32> to vector<1x4096xf32>
    %mul3A_980 = arith.mulf %mul3A_977, %mul3A_979 : vector<1x4096xf32>
    %add3A_981 = arith.addf %add3A_976, %mul3A_980 : vector<1x4096xf32>
    %mul3A_982 = arith.constant 2.000000e+00 : f32
    %mul3A_983 = vector.broadcast %mul3A_982 : f32 to vector<1x4096xf32>
    %mul3A_984 = arith.mulf %mul3A_983, %slice3A_939 : vector<1x4096xf32>
    %mul3A_985 = arith.mulf %mul3A_984, %slice3A_940 : vector<1x4096xf32>
    %slice3A_986 = vector.extract_strided_slice %dot_general3A_104 {offsets = [0, 1], sizes = [1, 1], strides = [1, 1]} : vector<4x4xf32> to vector<1x1xf32>
    %mul3A_987 = vector.broadcast %slice3A_986 : vector<1x1xf32> to vector<1x4096xf32>
    %mul3A_988 = arith.mulf %mul3A_985, %mul3A_987 : vector<1x4096xf32>
    %add3A_989 = arith.addf %add3A_981, %mul3A_988 : vector<1x4096xf32>
    %mul3A_990 = arith.constant 2.000000e+00 : f32
    %mul3A_991 = vector.broadcast %mul3A_990 : f32 to vector<1x4096xf32>
    %mul3A_992 = arith.mulf %mul3A_991, %slice3A_939 : vector<1x4096xf32>
    %mul3A_993 = arith.mulf %mul3A_992, %slice3A_941 : vector<1x4096xf32>
    %slice3A_994 = vector.extract_strided_slice %dot_general3A_104 {offsets = [0, 2], sizes = [1, 1], strides = [1, 1]} : vector<4x4xf32> to vector<1x1xf32>
    %mul3A_995 = vector.broadcast %slice3A_994 : vector<1x1xf32> to vector<1x4096xf32>
    %mul3A_996 = arith.mulf %mul3A_993, %mul3A_995 : vector<1x4096xf32>
    %add3A_997 = arith.addf %add3A_989, %mul3A_996 : vector<1x4096xf32>
    %mul3A_998 = arith.constant 2.000000e+00 : f32
    %mul3A_999 = vector.broadcast %mul3A_998 : f32 to vector<1x4096xf32>
    %mul3A_1000 = arith.mulf %mul3A_999, %slice3A_939 : vector<1x4096xf32>
    %mul3A_1001 = arith.mulf %mul3A_1000, %slice3A_942 : vector<1x4096xf32>
    %slice3A_1002 = vector.extract_strided_slice %dot_general3A_104 {offsets = [0, 3], sizes = [1, 1], strides = [1, 1]} : vector<4x4xf32> to vector<1x1xf32>
    %mul3A_1003 = vector.broadcast %slice3A_1002 : vector<1x1xf32> to vector<1x4096xf32>
    %mul3A_1004 = arith.mulf %mul3A_1001, %mul3A_1003 : vector<1x4096xf32>
    %add3A_1005 = arith.addf %add3A_997, %mul3A_1004 : vector<1x4096xf32>
    %mul3A_1006 = arith.constant 2.000000e+00 : f32
    %mul3A_1007 = vector.broadcast %mul3A_1006 : f32 to vector<1x4096xf32>
    %mul3A_1008 = arith.mulf %mul3A_1007, %slice3A_940 : vector<1x4096xf32>
    %slice3A_1009 = vector.extract_strided_slice %dot_general3A_106 {offsets = [1, 0], sizes = [1, 1], strides = [1, 1]} : vector<4x1xf32> to vector<1x1xf32>
    %mul3A_1010 = vector.broadcast %slice3A_1009 : vector<1x1xf32> to vector<1x4096xf32>
    %mul3A_1011 = arith.mulf %mul3A_1008, %mul3A_1010 : vector<1x4096xf32>
    %add3A_1012 = arith.addf %add3A_1005, %mul3A_1011 : vector<1x4096xf32>
    %mul3A_1013 = arith.mulf %slice3A_940, %slice3A_940 : vector<1x4096xf32>
    %slice3A_1014 = vector.extract_strided_slice %dot_general3A_104 {offsets = [1, 1], sizes = [1, 1], strides = [1, 1]} : vector<4x4xf32> to vector<1x1xf32>
    %mul3A_1015 = vector.broadcast %slice3A_1014 : vector<1x1xf32> to vector<1x4096xf32>
    %mul3A_1016 = arith.mulf %mul3A_1013, %mul3A_1015 : vector<1x4096xf32>
    %add3A_1017 = arith.addf %add3A_1012, %mul3A_1016 : vector<1x4096xf32>
    %mul3A_1018 = arith.constant 2.000000e+00 : f32
    %mul3A_1019 = vector.broadcast %mul3A_1018 : f32 to vector<1x4096xf32>
    %mul3A_1020 = arith.mulf %mul3A_1019, %slice3A_940 : vector<1x4096xf32>
    %mul3A_1021 = arith.mulf %mul3A_1020, %slice3A_941 : vector<1x4096xf32>
    %slice3A_1022 = vector.extract_strided_slice %dot_general3A_104 {offsets = [1, 2], sizes = [1, 1], strides = [1, 1]} : vector<4x4xf32> to vector<1x1xf32>
    %mul3A_1023 = vector.broadcast %slice3A_1022 : vector<1x1xf32> to vector<1x4096xf32>
    %mul3A_1024 = arith.mulf %mul3A_1021, %mul3A_1023 : vector<1x4096xf32>
    %add3A_1025 = arith.addf %add3A_1017, %mul3A_1024 : vector<1x4096xf32>
    %mul3A_1026 = arith.constant 2.000000e+00 : f32
    %mul3A_1027 = vector.broadcast %mul3A_1026 : f32 to vector<1x4096xf32>
    %mul3A_1028 = arith.mulf %mul3A_1027, %slice3A_940 : vector<1x4096xf32>
    %mul3A_1029 = arith.mulf %mul3A_1028, %slice3A_942 : vector<1x4096xf32>
    %slice3A_1030 = vector.extract_strided_slice %dot_general3A_104 {offsets = [1, 3], sizes = [1, 1], strides = [1, 1]} : vector<4x4xf32> to vector<1x1xf32>
    %mul3A_1031 = vector.broadcast %slice3A_1030 : vector<1x1xf32> to vector<1x4096xf32>
    %mul3A_1032 = arith.mulf %mul3A_1029, %mul3A_1031 : vector<1x4096xf32>
    %add3A_1033 = arith.addf %add3A_1025, %mul3A_1032 : vector<1x4096xf32>
    %mul3A_1034 = arith.constant 2.000000e+00 : f32
    %mul3A_1035 = vector.broadcast %mul3A_1034 : f32 to vector<1x4096xf32>
    %mul3A_1036 = arith.mulf %mul3A_1035, %slice3A_941 : vector<1x4096xf32>
    %slice3A_1037 = vector.extract_strided_slice %dot_general3A_106 {offsets = [2, 0], sizes = [1, 1], strides = [1, 1]} : vector<4x1xf32> to vector<1x1xf32>
    %mul3A_1038 = vector.broadcast %slice3A_1037 : vector<1x1xf32> to vector<1x4096xf32>
    %mul3A_1039 = arith.mulf %mul3A_1036, %mul3A_1038 : vector<1x4096xf32>
    %add3A_1040 = arith.addf %add3A_1033, %mul3A_1039 : vector<1x4096xf32>
    %mul3A_1041 = arith.mulf %slice3A_941, %slice3A_941 : vector<1x4096xf32>
    %slice3A_1042 = vector.extract_strided_slice %dot_general3A_104 {offsets = [2, 2], sizes = [1, 1], strides = [1, 1]} : vector<4x4xf32> to vector<1x1xf32>
    %mul3A_1043 = vector.broadcast %slice3A_1042 : vector<1x1xf32> to vector<1x4096xf32>
    %mul3A_1044 = arith.mulf %mul3A_1041, %mul3A_1043 : vector<1x4096xf32>
    %add3A_1045 = arith.addf %add3A_1040, %mul3A_1044 : vector<1x4096xf32>
    %mul3A_1046 = arith.constant 2.000000e+00 : f32
    %mul3A_1047 = vector.broadcast %mul3A_1046 : f32 to vector<1x4096xf32>
    %mul3A_1048 = arith.mulf %mul3A_1047, %slice3A_941 : vector<1x4096xf32>
    %mul3A_1049 = arith.mulf %mul3A_1048, %slice3A_942 : vector<1x4096xf32>
    %slice3A_1050 = vector.extract_strided_slice %dot_general3A_104 {offsets = [2, 3], sizes = [1, 1], strides = [1, 1]} : vector<4x4xf32> to vector<1x1xf32>
    %mul3A_1051 = vector.broadcast %slice3A_1050 : vector<1x1xf32> to vector<1x4096xf32>
    %mul3A_1052 = arith.mulf %mul3A_1049, %mul3A_1051 : vector<1x4096xf32>
    %add3A_1053 = arith.addf %add3A_1045, %mul3A_1052 : vector<1x4096xf32>
    %mul3A_1054 = arith.constant 2.000000e+00 : f32
    %mul3A_1055 = vector.broadcast %mul3A_1054 : f32 to vector<1x4096xf32>
    %mul3A_1056 = arith.mulf %mul3A_1055, %slice3A_942 : vector<1x4096xf32>
    %slice3A_1057 = vector.extract_strided_slice %dot_general3A_106 {offsets = [3, 0], sizes = [1, 1], strides = [1, 1]} : vector<4x1xf32> to vector<1x1xf32>
    %mul3A_1058 = vector.broadcast %slice3A_1057 : vector<1x1xf32> to vector<1x4096xf32>
    %mul3A_1059 = arith.mulf %mul3A_1056, %mul3A_1058 : vector<1x4096xf32>
    %add3A_1060 = arith.addf %add3A_1053, %mul3A_1059 : vector<1x4096xf32>
    %mul3A_1061 = arith.mulf %slice3A_942, %slice3A_942 : vector<1x4096xf32>
    %slice3A_1062 = vector.extract_strided_slice %dot_general3A_104 {offsets = [3, 3], sizes = [1, 1], strides = [1, 1]} : vector<4x4xf32> to vector<1x1xf32>
    %mul3A_1063 = vector.broadcast %slice3A_1062 : vector<1x1xf32> to vector<1x4096xf32>
    %mul3A_1064 = arith.mulf %mul3A_1061, %mul3A_1063 : vector<1x4096xf32>
    %add3A_1065 = arith.addf %add3A_1060, %mul3A_1064 : vector<1x4096xf32>
    %mul3A_1066 = arith.constant 1.562500e-02 : f32
    %mul3A_1067 = vector.broadcast %mul3A_1066 : f32 to vector<1x4096xf32>
    %mul3A_1068 = arith.mulf %add3A_1065, %mul3A_1067 : vector<1x4096xf32>
    %mul3A_1069 = arith.mulf %mul3A_965, %mul3A_965 : vector<1x4096xf32>
    %sub3A_1070 = arith.subf %mul3A_1068, %mul3A_1069 : vector<1x4096xf32>
    %add3A_1071 = arith.constant 9.99999974E-6 : f32
    %add3A_1072 = vector.broadcast %add3A_1071 : f32 to vector<1x4096xf32>
    %add3A_1073 = arith.addf %sub3A_1070, %add3A_1072 : vector<1x4096xf32>
    %rsqrt3A_1074 = math.rsqrt %add3A_1073 : vector<1x4096xf32>
    %transpose3A_1075 = tpu.transpose %mul3A_965, [1, 0] : vector<1x4096xf32> -> vector<4096x1xf32>
    %transpose3A_1076 = tpu.transpose %rsqrt3A_1074, [1, 0] : vector<1x4096xf32> -> vector<4096x1xf32>
    %sub3A_1077 = vector.broadcast %transpose3A_1075 : vector<4096x1xf32> to vector<4096x64xf32>
    %sub3A_1078 = arith.subf %add3A_938, %sub3A_1077 : vector<4096x64xf32>
    %mul3A_1079 = vector.broadcast %transpose3A_1076 : vector<4096x1xf32> to vector<4096x64xf32>
    %mul3A_1080 = arith.mulf %sub3A_1078, %mul3A_1079 : vector<4096x64xf32>
    %mul3A_1081 = vector.broadcast %get3A_7 : vector<1x64xf32> to vector<4096x64xf32>
    %mul3A_1082 = arith.mulf %mul3A_1080, %mul3A_1081 : vector<4096x64xf32>
    %add3A_1083 = vector.broadcast %get3A_10 : vector<1x64xf32> to vector<4096x64xf32>
    %add3A_1084 = arith.addf %mul3A_1082, %add3A_1083 : vector<4096x64xf32>
    %add3A_1085 = arith.addf %add3A_934, %add3A_1084 : vector<4096x64xf32>
    %slice3A_1086 = vector.extract_strided_slice %add3A_1085 {offsets = [0, 0], sizes = [2048, 64], strides = [1, 1]} : vector<4096x64xf32> to vector<2048x64xf32>
    %slice3A_1087 = vector.extract_strided_slice %add3A_1085 {offsets = [2048, 0], sizes = [2048, 64], strides = [1, 1]} : vector<4096x64xf32> to vector<2048x64xf32>
    %iota3A_1088 = tpu.iota {dimensions = array<i32: 0>} : vector<2048x1xi32>
    %add3A_1089 = arith.constant 6144 : i32
    %add3A_1090 = vector.broadcast %add3A_1089 : i32 to vector<2048x1xi32>
    %add3A_1091 = arith.addi %iota3A_1088, %add3A_1090 : vector<2048x1xi32>
    %lt3A_1092 = arith.constant 64 : i32
    %lt3A_1093 = vector.broadcast %lt3A_1092 : i32 to vector<2048x1xi32>
    %lt3A_1094 = arith.cmpi slt, %add3A_1091, %lt3A_1093 : vector<2048x1xi32>
    %jit3A_1095 = arith.constant 64 : i32
    %eq3A_1096 = arith.constant 0 : i32
    %eq3A_1097 = arith.cmpi eq, %jit3A_1095, %eq3A_1096 : i32
    %jit3A_1098 = arith.constant 1 : i32
    %select_n3A_1099 = arith.select %eq3A_1097, %jit3A_1098, %jit3A_1095 : i32
    %rem3A_1100 = vector.broadcast %select_n3A_1099 : i32 to vector<2048x1xi32>
    %rem3A_1101 = arith.remsi %add3A_1091, %rem3A_1100 : vector<2048x1xi32>
    %ne3A_1102 = arith.constant 0 : i32
    %ne3A_1103 = vector.broadcast %ne3A_1102 : i32 to vector<2048x1xi32>
    %ne3A_1104 = arith.cmpi ne, %rem3A_1101, %ne3A_1103 : vector<2048x1xi32>
    %lt3A_1105 = arith.constant 0 : i32
    %lt3A_1106 = vector.broadcast %lt3A_1105 : i32 to vector<2048x1xi32>
    %lt3A_1107 = arith.cmpi slt, %rem3A_1101, %lt3A_1106 : vector<2048x1xi32>
    %lt3A_1108 = arith.constant 0 : i32
    %lt3A_1109 = arith.cmpi slt, %select_n3A_1099, %lt3A_1108 : i32
    %ne3A_1110 = vector.broadcast %lt3A_1109 : i1 to vector<2048x1xi1>
    %ne3A_1111 = vector.broadcast %ne3A_1110 : vector<2048x1xi1> to vector<2048x1xi1>
    %ne3A_1112 = arith.xori %lt3A_1107, %ne3A_1111 : vector<2048x1xi1>
    %and3A_1113 = arith.andi %ne3A_1112, %ne3A_1104 : vector<2048x1xi1>
    %add3A_1114 = vector.broadcast %select_n3A_1099 : i32 to vector<2048x1xi32>
    %add3A_1115 = arith.addi %rem3A_1101, %add3A_1114 : vector<2048x1xi32>
    %select_n3A_1116 = arith.select %and3A_1113, %add3A_1115, %rem3A_1101 : vector<2048x1xi1>, vector<2048x1xi32>
    %eq3A_1117 = arith.constant 0 : i32
    %eq3A_1118 = vector.broadcast %eq3A_1117 : i32 to vector<2048x1xi32>
    %eq3A_1119 = arith.cmpi eq, %select_n3A_1116, %eq3A_1118 : vector<2048x1xi32>
    %or3A_1120 = arith.ori %lt3A_1094, %eq3A_1119 : vector<2048x1xi1>
    %lt3A_1121 = arith.constant 64 : i32
    %lt3A_1122 = vector.broadcast %lt3A_1121 : i32 to vector<2048x1xi32>
    %lt3A_1123 = arith.cmpi slt, %add3A_1091, %lt3A_1122 : vector<2048x1xi32>
    %broadcast_in_dim3A_1124 = vector.shape_cast %or3A_1120 : vector<2048x1xi1> to vector<2048x1xi1>
    %broadcast_in_dim3A_1125 = vector.broadcast %broadcast_in_dim3A_1124 : vector<2048x1xi1> to vector<2048x64xi1>
    %broadcast_in_dim3A_1126 = vector.shape_cast %get3A_13 : vector<1x64xf32> to vector<1x64xf32>
    %broadcast_in_dim3A_1127 = vector.broadcast %broadcast_in_dim3A_1126 : vector<1x64xf32> to vector<2048x64xf32>
    %select_n3A_1128 = arith.select %broadcast_in_dim3A_1125, %broadcast_in_dim3A_1127, %slice3A_1086 : vector<2048x64xi1>, vector<2048x64xf32>
    %broadcast_in_dim3A_1129 = vector.shape_cast %lt3A_1123 : vector<2048x1xi1> to vector<2048x1xi1>
    %broadcast_in_dim3A_1130 = vector.broadcast %broadcast_in_dim3A_1129 : vector<2048x1xi1> to vector<2048x64xi1>
    %broadcast_in_dim3A_1131 = vector.shape_cast %get3A_13 : vector<1x64xf32> to vector<1x64xf32>
    %broadcast_in_dim3A_1132 = vector.broadcast %broadcast_in_dim3A_1131 : vector<1x64xf32> to vector<2048x64xf32>
    %select_n3A_1133 = arith.select %broadcast_in_dim3A_1130, %broadcast_in_dim3A_1132, %slice3A_1087 : vector<2048x64xi1>, vector<2048x64xf32>
    %concatenate3A_1134 = tpu.concatenate %select_n3A_1128, %select_n3A_1133 in 1 : vector<2048x64xf32>, vector<2048x64xf32> -> vector<2048x128xf32>
    %swap3A_1135 = arith.constant 0 : index
    %swap3A_1136 = arith.constant 6144 : index
    %swap3A_1137 = arith.constant 0 : index
    %swap3A_1138 = vector.load %arg27[%swap3A_1135, %swap3A_1136, %swap3A_1137] : memref<1x8192x128xf32, #tpu.memory_space<vmem>>, vector<1x2048x128xf32>
    %swap3A_1139 = vector.shape_cast %swap3A_1138 : vector<1x2048x128xf32> to vector<2048x128xf32>
    %swap3A_1140 = vector.shape_cast %concatenate3A_1134 : vector<2048x128xf32> to vector<1x2048x128xf32>
    tpu.vector_store %arg27[%swap3A_1135, %swap3A_1136, %swap3A_1137], %swap3A_1140 {strides = array<i32>} : memref<1x8192x128xf32, #tpu.memory_space<vmem>>, vector<1x2048x128xf32>,
    %get3A_1141 = arith.constant 0 : index
    %get3A_1142 = arith.constant 0 : index
    %get3A_1143 = arith.constant 0 : index
    %get3A_1144 = vector.load %arg3[%get3A_1141, %get3A_1142, %get3A_1143] : memref<1x256x3xi32, #tpu.memory_space<vmem>>, vector<1x256x3xi32>
    %get3A_1145 = vector.shape_cast %get3A_1144 : vector<1x256x3xi32> to vector<256x3xi32>
    %slice3A_1146 = vector.extract_strided_slice %get3A_1145 {offsets = [0, 0], sizes = [256, 1], strides = [1, 1]} : vector<256x3xi32> to vector<256x1xi32>
    %add3A_1147 = arith.constant 1 : i32
    %add3A_1148 = vector.broadcast %add3A_1147 : i32 to vector<256x1xi32>
    %add3A_1149 = arith.addi %slice3A_1146, %add3A_1148 : vector<256x1xi32>
    %slice3A_1150 = vector.extract_strided_slice %get3A_1145 {offsets = [0, 1], sizes = [256, 1], strides = [1, 1]} : vector<256x3xi32> to vector<256x1xi32>
    %add3A_1151 = arith.constant 18 : i32
    %add3A_1152 = vector.broadcast %add3A_1151 : i32 to vector<256x1xi32>
    %add3A_1153 = arith.addi %slice3A_1150, %add3A_1152 : vector<256x1xi32>
    %slice3A_1154 = vector.extract_strided_slice %get3A_1145 {offsets = [0, 2], sizes = [256, 1], strides = [1, 1]} : vector<256x3xi32> to vector<256x1xi32>
    %add3A_1155 = arith.constant 27 : i32
    %add3A_1156 = vector.broadcast %add3A_1155 : i32 to vector<256x1xi32>
    %add3A_1157 = arith.addi %slice3A_1154, %add3A_1156 : vector<256x1xi32>
    %get3A_1158 = arith.constant 0 : index
    %get3A_1159 = arith.constant 0 : index
    %get3A_1160 = vector.load %arg9[%get3A_1158, %get3A_1159] : memref<35x64xbf16, #tpu.memory_space<vmem>>, vector<35x64xbf16>
    %get3A_1161 = arith.constant 0 : index
    %get3A_1162 = arith.constant 0 : index
    %get3A_1163 = vector.load %arg10[%get3A_1161, %get3A_1162] : memref<35x64xbf16, #tpu.memory_space<vmem>>, vector<35x64xbf16>
    %iota3A_1164 = tpu.iota {dimensions = array<i32: 1>} : vector<256x35xi32>
    %eq3A_1165 = vector.broadcast %add3A_1149 : vector<256x1xi32> to vector<256x35xi32>
    %eq3A_1166 = arith.cmpi eq, %iota3A_1164, %eq3A_1165 : vector<256x35xi32>
    %convert_element_type3A_1167 = arith.extui %eq3A_1166 : vector<256x35xi1> to vector<256x35xi32>
    %convert_element_type3A_1168 = arith.sitofp %convert_element_type3A_1167 : vector<256x35xi32> to vector<256x35xf32>
    %convert_element_type3A_1169 = arith.truncf %convert_element_type3A_1168 : vector<256x35xf32> to vector<256x35xbf16>
    %eq3A_1170 = vector.broadcast %add3A_1153 : vector<256x1xi32> to vector<256x35xi32>
    %eq3A_1171 = arith.cmpi eq, %iota3A_1164, %eq3A_1170 : vector<256x35xi32>
    %convert_element_type3A_1172 = arith.extui %eq3A_1171 : vector<256x35xi1> to vector<256x35xi32>
    %convert_element_type3A_1173 = arith.sitofp %convert_element_type3A_1172 : vector<256x35xi32> to vector<256x35xf32>
    %convert_element_type3A_1174 = arith.truncf %convert_element_type3A_1173 : vector<256x35xf32> to vector<256x35xbf16>
    %add3A_1175 = arith.addf %convert_element_type3A_1169, %convert_element_type3A_1174 : vector<256x35xbf16>
    %eq3A_1176 = vector.broadcast %add3A_1157 : vector<256x1xi32> to vector<256x35xi32>
    %eq3A_1177 = arith.cmpi eq, %iota3A_1164, %eq3A_1176 : vector<256x35xi32>
    %convert_element_type3A_1178 = arith.extui %eq3A_1177 : vector<256x35xi1> to vector<256x35xi32>
    %convert_element_type3A_1179 = arith.sitofp %convert_element_type3A_1178 : vector<256x35xi32> to vector<256x35xf32>
    %convert_element_type3A_1180 = arith.truncf %convert_element_type3A_1179 : vector<256x35xf32> to vector<256x35xbf16>
    %add3A_1181 = arith.addf %add3A_1175, %convert_element_type3A_1180 : vector<256x35xbf16>
    %dot_general3A_1182 = arith.constant dense<0.000000e+00> : vector<256x64xf32>
    %dot_general3A_1183 = tpu.matmul %add3A_1181, %get3A_1160, %dot_general3A_1182 {dimension_numbers = #tpu.dot_dimension_numbers<[1], [0], [0], [1], [0, 0, 1, 1], [], []>, transpose_lhs_hint = false} : vector<256x35xbf16>, vector<35x64xbf16>, vector<256x64xf32> -> vector<256x64xf32>
    %dot_general3A_1184 = arith.constant dense<0.000000e+00> : vector<256x64xf32>
    %dot_general3A_1185 = tpu.matmul %add3A_1181, %get3A_1163, %dot_general3A_1184 {dimension_numbers = #tpu.dot_dimension_numbers<[1], [0], [0], [1], [0, 0, 1, 1], [], []>, transpose_lhs_hint = false} : vector<256x35xbf16>, vector<35x64xbf16>, vector<256x64xf32> -> vector<256x64xf32>
    %add3A_1186 = arith.addf %dot_general3A_1183, %dot_general3A_1185 : vector<256x64xf32>
    %get3A_1187 = arith.constant 0 : index
    %get3A_1188 = arith.constant 0 : index
    %get3A_1189 = vector.load %arg11[%get3A_1187, %get3A_1188] : memref<1x64xf32, #tpu.memory_space<vmem>>, vector<1x64xf32>
    %get3A_1190 = arith.constant 0 : index
    %get3A_1191 = arith.constant 0 : index
    %get3A_1192 = vector.load %arg12[%get3A_1190, %get3A_1191] : memref<1x64xf32, #tpu.memory_space<vmem>>, vector<1x64xf32>
    %reduce_sum3A_1193 = arith.constant dense<0.000000e+00> : vector<256xf32>
    %reduce_sum3A_1194 = vector.multi_reduction <add>, %add3A_1186, %reduce_sum3A_1193 [1] : vector<256x64xf32> to vector<256xf32>
    %broadcast_in_dim3A_1195 = vector.shape_cast %reduce_sum3A_1194 : vector<256xf32> to vector<256x1xf32>
    %div3A_1196 = arith.constant 6.400000e+01 : f32
    %div3A_1197 = vector.broadcast %div3A_1196 : f32 to vector<256x1xf32>
    %div3A_1198 = arith.divf %broadcast_in_dim3A_1195, %div3A_1197 : vector<256x1xf32>
    %sub3A_1199 = vector.broadcast %div3A_1198 : vector<256x1xf32> to vector<256x64xf32>
    %sub3A_1200 = arith.subf %add3A_1186, %sub3A_1199 : vector<256x64xf32>
    %mul3A_1201 = arith.mulf %sub3A_1200, %sub3A_1200 : vector<256x64xf32>
    %reduce_sum3A_1202 = arith.constant dense<0.000000e+00> : vector<256xf32>
    %reduce_sum3A_1203 = vector.multi_reduction <add>, %mul3A_1201, %reduce_sum3A_1202 [1] : vector<256x64xf32> to vector<256xf32>
    %broadcast_in_dim3A_1204 = vector.shape_cast %reduce_sum3A_1203 : vector<256xf32> to vector<256x1xf32>
    %div3A_1205 = arith.constant 6.400000e+01 : f32
    %div3A_1206 = vector.broadcast %div3A_1205 : f32 to vector<256x1xf32>
    %div3A_1207 = arith.divf %broadcast_in_dim3A_1204, %div3A_1206 : vector<256x1xf32>
    %add3A_1208 = arith.constant 9.99999974E-6 : f32
    %add3A_1209 = vector.broadcast %add3A_1208 : f32 to vector<256x1xf32>
    %add3A_1210 = arith.addf %div3A_1207, %add3A_1209 : vector<256x1xf32>
    %rsqrt3A_1211 = math.rsqrt %add3A_1210 : vector<256x1xf32>
    %mul3A_1212 = vector.broadcast %rsqrt3A_1211 : vector<256x1xf32> to vector<256x64xf32>
    %mul3A_1213 = arith.mulf %sub3A_1200, %mul3A_1212 : vector<256x64xf32>
    %mul3A_1214 = vector.broadcast %get3A_1189 : vector<1x64xf32> to vector<256x64xf32>
    %mul3A_1215 = arith.mulf %mul3A_1213, %mul3A_1214 : vector<256x64xf32>
    %add3A_1216 = vector.broadcast %get3A_1192 : vector<1x64xf32> to vector<256x64xf32>
    %add3A_1217 = arith.addf %mul3A_1215, %add3A_1216 : vector<256x64xf32>
    %get3A_1218 = arith.constant 0 : index
    %get3A_1219 = arith.constant 0 : index
    %get3A_1220 = arith.constant 0 : index
    %get3A_1221 = vector.load %arg4[%get3A_1218, %get3A_1219, %get3A_1220] : memref<1x256x4xf32, #tpu.memory_space<vmem>>, vector<1x256x4xf32>
    %get3A_1222 = vector.shape_cast %get3A_1221 : vector<1x256x4xf32> to vector<256x4xf32>
    %get3A_1223 = arith.constant 0 : index
    %get3A_1224 = arith.constant 0 : index
    %get3A_1225 = vector.load %arg13[%get3A_1223, %get3A_1224] : memref<4x64xf32, #tpu.memory_space<vmem>>, vector<4x64xf32>
    %get3A_1226 = arith.constant 0 : index
    %get3A_1227 = arith.constant 0 : index
    %get3A_1228 = vector.load %arg14[%get3A_1226, %get3A_1227] : memref<1x64xf32, #tpu.memory_space<vmem>>, vector<1x64xf32>
    %slice3A_1229 = vector.extract_strided_slice %get3A_1222 {offsets = [0, 0], sizes = [256, 1], strides = [1, 1]} : vector<256x4xf32> to vector<256x1xf32>
    %slice3A_1230 = vector.extract_strided_slice %get3A_1225 {offsets = [0, 0], sizes = [1, 64], strides = [1, 1]} : vector<4x64xf32> to vector<1x64xf32>
    %mul3A_1231 = vector.broadcast %slice3A_1229 : vector<256x1xf32> to vector<256x64xf32>
    %mul3A_1232 = vector.broadcast %slice3A_1230 : vector<1x64xf32> to vector<256x64xf32>
    %mul3A_1233 = arith.mulf %mul3A_1231, %mul3A_1232 : vector<256x64xf32>
    %add3A_1234 = vector.broadcast %get3A_1228 : vector<1x64xf32> to vector<256x64xf32>
    %add3A_1235 = arith.addf %mul3A_1233, %add3A_1234 : vector<256x64xf32>
    %slice3A_1236 = vector.extract_strided_slice %get3A_1222 {offsets = [0, 1], sizes = [256, 1], strides = [1, 1]} : vector<256x4xf32> to vector<256x1xf32>
    %slice3A_1237 = vector.extract_strided_slice %get3A_1225 {offsets = [1, 0], sizes = [1, 64], strides = [1, 1]} : vector<4x64xf32> to vector<1x64xf32>
    %mul3A_1238 = vector.broadcast %slice3A_1236 : vector<256x1xf32> to vector<256x64xf32>
    %mul3A_1239 = vector.broadcast %slice3A_1237 : vector<1x64xf32> to vector<256x64xf32>
    %mul3A_1240 = arith.mulf %mul3A_1238, %mul3A_1239 : vector<256x64xf32>
    %add3A_1241 = arith.addf %add3A_1235, %mul3A_1240 : vector<256x64xf32>
    %slice3A_1242 = vector.extract_strided_slice %get3A_1222 {offsets = [0, 2], sizes = [256, 1], strides = [1, 1]} : vector<256x4xf32> to vector<256x1xf32>
    %slice3A_1243 = vector.extract_strided_slice %get3A_1225 {offsets = [2, 0], sizes = [1, 64], strides = [1, 1]} : vector<4x64xf32> to vector<1x64xf32>
    %mul3A_1244 = vector.broadcast %slice3A_1242 : vector<256x1xf32> to vector<256x64xf32>
    %mul3A_1245 = vector.broadcast %slice3A_1243 : vector<1x64xf32> to vector<256x64xf32>
    %mul3A_1246 = arith.mulf %mul3A_1244, %mul3A_1245 : vector<256x64xf32>
    %add3A_1247 = arith.addf %add3A_1241, %mul3A_1246 : vector<256x64xf32>
    %slice3A_1248 = vector.extract_strided_slice %get3A_1222 {offsets = [0, 3], sizes = [256, 1], strides = [1, 1]} : vector<256x4xf32> to vector<256x1xf32>
    %slice3A_1249 = vector.extract_strided_slice %get3A_1225 {offsets = [3, 0], sizes = [1, 64], strides = [1, 1]} : vector<4x64xf32> to vector<1x64xf32>
    %mul3A_1250 = vector.broadcast %slice3A_1248 : vector<256x1xf32> to vector<256x64xf32>
    %mul3A_1251 = vector.broadcast %slice3A_1249 : vector<1x64xf32> to vector<256x64xf32>
    %mul3A_1252 = arith.mulf %mul3A_1250, %mul3A_1251 : vector<256x64xf32>
    %add3A_1253 = arith.addf %add3A_1247, %mul3A_1252 : vector<256x64xf32>
    %get3A_1254 = arith.constant 0 : index
    %get3A_1255 = arith.constant 0 : index
    %get3A_1256 = vector.load %arg15[%get3A_1254, %get3A_1255] : memref<1x64xf32, #tpu.memory_space<vmem>>, vector<1x64xf32>
    %get3A_1257 = arith.constant 0 : index
    %get3A_1258 = arith.constant 0 : index
    %get3A_1259 = vector.load %arg16[%get3A_1257, %get3A_1258] : memref<1x64xf32, #tpu.memory_space<vmem>>, vector<1x64xf32>
    %reduce_sum3A_1260 = arith.constant dense<0.000000e+00> : vector<256xf32>
    %reduce_sum3A_1261 = vector.multi_reduction <add>, %add3A_1253, %reduce_sum3A_1260 [1] : vector<256x64xf32> to vector<256xf32>
    %broadcast_in_dim3A_1262 = vector.shape_cast %reduce_sum3A_1261 : vector<256xf32> to vector<256x1xf32>
    %div3A_1263 = arith.constant 6.400000e+01 : f32
    %div3A_1264 = vector.broadcast %div3A_1263 : f32 to vector<256x1xf32>
    %div3A_1265 = arith.divf %broadcast_in_dim3A_1262, %div3A_1264 : vector<256x1xf32>
    %sub3A_1266 = vector.broadcast %div3A_1265 : vector<256x1xf32> to vector<256x64xf32>
    %sub3A_1267 = arith.subf %add3A_1253, %sub3A_1266 : vector<256x64xf32>
    %mul3A_1268 = arith.mulf %sub3A_1267, %sub3A_1267 : vector<256x64xf32>
    %reduce_sum3A_1269 = arith.constant dense<0.000000e+00> : vector<256xf32>
    %reduce_sum3A_1270 = vector.multi_reduction <add>, %mul3A_1268, %reduce_sum3A_1269 [1] : vector<256x64xf32> to vector<256xf32>
    %broadcast_in_dim3A_1271 = vector.shape_cast %reduce_sum3A_1270 : vector<256xf32> to vector<256x1xf32>
    %div3A_1272 = arith.constant 6.400000e+01 : f32
    %div3A_1273 = vector.broadcast %div3A_1272 : f32 to vector<256x1xf32>
    %div3A_1274 = arith.divf %broadcast_in_dim3A_1271, %div3A_1273 : vector<256x1xf32>
    %add3A_1275 = arith.constant 9.99999974E-6 : f32
    %add3A_1276 = vector.broadcast %add3A_1275 : f32 to vector<256x1xf32>
    %add3A_1277 = arith.addf %div3A_1274, %add3A_1276 : vector<256x1xf32>
    %rsqrt3A_1278 = math.rsqrt %add3A_1277 : vector<256x1xf32>
    %mul3A_1279 = vector.broadcast %rsqrt3A_1278 : vector<256x1xf32> to vector<256x64xf32>
    %mul3A_1280 = arith.mulf %sub3A_1267, %mul3A_1279 : vector<256x64xf32>
    %mul3A_1281 = vector.broadcast %get3A_1256 : vector<1x64xf32> to vector<256x64xf32>
    %mul3A_1282 = arith.mulf %mul3A_1280, %mul3A_1281 : vector<256x64xf32>
    %add3A_1283 = vector.broadcast %get3A_1259 : vector<1x64xf32> to vector<256x64xf32>
    %add3A_1284 = arith.addf %mul3A_1282, %add3A_1283 : vector<256x64xf32>
    %add3A_1285 = arith.addf %add3A_1217, %add3A_1284 : vector<256x64xf32>
    %get3A_1286 = arith.constant 0 : index
    %get3A_1287 = arith.constant 0 : index
    %get3A_1288 = arith.constant 0 : index
    %get3A_1289 = vector.load %arg5[%get3A_1286, %get3A_1287, %get3A_1288] : memref<1x256x1xf32, #tpu.memory_space<vmem>>, vector<1x256x1xf32>
    %get3A_1290 = vector.shape_cast %get3A_1289 : vector<1x256x1xf32> to vector<256x1xf32>
    %mul3A_1291 = vector.broadcast %get3A_1290 : vector<256x1xf32> to vector<256x64xf32>
    %mul3A_1292 = arith.mulf %add3A_1285, %mul3A_1291 : vector<256x64xf32>
    %get3A_1293 = arith.constant 0 : index
    %get3A_1294 = arith.constant 0 : index
    %get3A_1295 = vector.load %arg25[%get3A_1293, %get3A_1294] : memref<64x64xf32, #tpu.memory_space<vmem>>, vector<64x64xf32>
    %dot_general3A_1296 = arith.constant dense<0.000000e+00> : vector<256x64xf32>
    %dot_general3A_1297 = tpu.matmul %mul3A_1292, %get3A_1295, %dot_general3A_1296 {dimension_numbers = #tpu.dot_dimension_numbers<[1], [0], [0], [1], [0, 0, 1, 1], [], []>, precision = #tpu.contract_precision<fp32>, transpose_lhs_hint = false} : vector<256x64xf32>, vector<64x64xf32>, vector<256x64xf32> -> vector<256x64xf32>
    %get3A_1298 = arith.constant 0 : index
    %get3A_1299 = arith.constant 0 : index
    %get3A_1300 = vector.load %arg26[%get3A_1298, %get3A_1299] : memref<1x64xf32, #tpu.memory_space<vmem>>, vector<1x64xf32>
    %add3A_1301 = vector.broadcast %get3A_1300 : vector<1x64xf32> to vector<256x64xf32>
    %add3A_1302 = arith.addf %dot_general3A_1297, %add3A_1301 : vector<256x64xf32>
    %concatenate3A_1303 = tpu.concatenate %mul3A_1292, %add3A_1302 in 0 : vector<256x64xf32>, vector<256x64xf32> -> vector<512x64xf32>
    %get3A_1304 = arith.constant 0 : index
    %get3A_1305 = arith.constant 0 : index
    %get3A_1306 = arith.constant 0 : index
    %get3A_1307 = arith.constant 0 : index
    %get3A_1308 = vector.load %arg6[%get3A_1304, %get3A_1305, %get3A_1306, %get3A_1307] : memref<1x2x2x128xi32, #tpu.memory_space<vmem>>, vector<1x2x2x128xi32>
    %get3A_1309 = vector.shape_cast %get3A_1308 : vector<1x2x2x128xi32> to vector<2x2x128xi32>
    %add3A_1310 = arith.constant 1 : i32
    %add3A_1311 = vector.broadcast %add3A_1310 : i32 to vector<2x2x128xi32>
    %add3A_1312 = arith.addi %get3A_1309, %add3A_1311 : vector<2x2x128xi32>
    %slice3A_1313 = vector.extract_strided_slice %add3A_1312 {offsets = [0, 0, 0], sizes = [1, 2, 128], strides = [1, 1, 1]} : vector<2x2x128xi32> to vector<1x2x128xi32>
    %squeeze3A = vector.shape_cast %slice3A_1313 : vector<1x2x128xi32> to vector<2x128xi32>
    %slice3A_1314 = vector.extract_strided_slice %add3A_1312 {offsets = [1, 0, 0], sizes = [1, 2, 128], strides = [1, 1, 1]} : vector<2x2x128xi32> to vector<1x2x128xi32>
    %squeeze3A_1315 = vector.shape_cast %slice3A_1314 : vector<1x2x128xi32> to vector<2x128xi32>
    %mul3A_1316 = arith.constant 64 : i32
    %mul3A_1317 = vector.broadcast %mul3A_1316 : i32 to vector<2x128xi32>
    %mul3A_1318 = arith.muli %squeeze3A, %mul3A_1317 : vector<2x128xi32>
    %jit3A_1319 = arith.constant 2 : i32
    %div3A_1320 = vector.broadcast %jit3A_1319 : i32 to vector<2x128xi32>
    %div3A_1321 = arith.divsi %squeeze3A_1315, %div3A_1320 : vector<2x128xi32>
    %sign3A_1322 = arith.constant 0 : i32
    %sign3A_1323 = vector.broadcast %sign3A_1322 : i32 to vector<2x128xi32>
    %sign3A_1324 = arith.cmpi sgt, %squeeze3A_1315, %sign3A_1323 : vector<2x128xi32>
    %sign3A_1325 = arith.extui %sign3A_1324 : vector<2x128xi1> to vector<2x128xi32>
    %sign3A_1326 = arith.constant 0 : i32
    %sign3A_1327 = vector.broadcast %sign3A_1326 : i32 to vector<2x128xi32>
    %sign3A_1328 = arith.cmpi slt, %squeeze3A_1315, %sign3A_1327 : vector<2x128xi32>
    %sign3A_1329 = arith.extui %sign3A_1328 : vector<2x128xi1> to vector<2x128xi32>
    %sign3A_1330 = arith.subi %sign3A_1325, %sign3A_1329 : vector<2x128xi32>
    %sign3A_1331 = arith.constant 0 : i32
    %sign3A_1332 = arith.cmpi sgt, %jit3A_1319, %sign3A_1331 : i32
    %sign3A_1333 = arith.extui %sign3A_1332 : i1 to i32
    %sign3A_1334 = arith.constant 0 : i32
    %sign3A_1335 = arith.cmpi slt, %jit3A_1319, %sign3A_1334 : i32
    %sign3A_1336 = arith.extui %sign3A_1335 : i1 to i32
    %sign3A_1337 = arith.subi %sign3A_1333, %sign3A_1336 : i32
    %ne3A_1338 = vector.broadcast %sign3A_1337 : i32 to vector<2x128xi32>
    %ne3A_1339 = arith.cmpi ne, %sign3A_1330, %ne3A_1338 : vector<2x128xi32>
    %rem3A_1340 = vector.broadcast %jit3A_1319 : i32 to vector<2x128xi32>
    %rem3A_1341 = arith.remsi %squeeze3A_1315, %rem3A_1340 : vector<2x128xi32>
    %ne3A_1342 = arith.constant 0 : i32
    %ne3A_1343 = vector.broadcast %ne3A_1342 : i32 to vector<2x128xi32>
    %ne3A_1344 = arith.cmpi ne, %rem3A_1341, %ne3A_1343 : vector<2x128xi32>
    %and3A_1345 = arith.andi %ne3A_1339, %ne3A_1344 : vector<2x128xi1>
    %sub3A_1346 = arith.constant 1 : i32
    %sub3A_1347 = vector.broadcast %sub3A_1346 : i32 to vector<2x128xi32>
    %sub3A_1348 = arith.subi %div3A_1321, %sub3A_1347 : vector<2x128xi32>
    %select_n3A_1349 = arith.select %and3A_1345, %sub3A_1348, %div3A_1321 : vector<2x128xi1>, vector<2x128xi32>
    %add3A_1350 = arith.addi %mul3A_1318, %select_n3A_1349 : vector<2x128xi32>
    %mul3A_1351 = arith.constant 64 : i32
    %mul3A_1352 = vector.broadcast %mul3A_1351 : i32 to vector<2x128xi32>
    %mul3A_1353 = arith.muli %squeeze3A_1315, %mul3A_1352 : vector<2x128xi32>
    %jit3A_1354 = arith.constant 2 : i32
    %div3A_1355 = vector.broadcast %jit3A_1354 : i32 to vector<2x128xi32>
    %div3A_1356 = arith.divsi %squeeze3A, %div3A_1355 : vector<2x128xi32>
    %sign3A_1357 = arith.constant 0 : i32
    %sign3A_1358 = vector.broadcast %sign3A_1357 : i32 to vector<2x128xi32>
    %sign3A_1359 = arith.cmpi sgt, %squeeze3A, %sign3A_1358 : vector<2x128xi32>
    %sign3A_1360 = arith.extui %sign3A_1359 : vector<2x128xi1> to vector<2x128xi32>
    %sign3A_1361 = arith.constant 0 : i32
    %sign3A_1362 = vector.broadcast %sign3A_1361 : i32 to vector<2x128xi32>
    %sign3A_1363 = arith.cmpi slt, %squeeze3A, %sign3A_1362 : vector<2x128xi32>
    %sign3A_1364 = arith.extui %sign3A_1363 : vector<2x128xi1> to vector<2x128xi32>
    %sign3A_1365 = arith.subi %sign3A_1360, %sign3A_1364 : vector<2x128xi32>
    %sign3A_1366 = arith.constant 0 : i32
    %sign3A_1367 = arith.cmpi sgt, %jit3A_1354, %sign3A_1366 : i32
    %sign3A_1368 = arith.extui %sign3A_1367 : i1 to i32
    %sign3A_1369 = arith.constant 0 : i32
    %sign3A_1370 = arith.cmpi slt, %jit3A_1354, %sign3A_1369 : i32
    %sign3A_1371 = arith.extui %sign3A_1370 : i1 to i32
    %sign3A_1372 = arith.subi %sign3A_1368, %sign3A_1371 : i32
    %ne3A_1373 = vector.broadcast %sign3A_1372 : i32 to vector<2x128xi32>
    %ne3A_1374 = arith.cmpi ne, %sign3A_1365, %ne3A_1373 : vector<2x128xi32>
    %rem3A_1375 = vector.broadcast %jit3A_1354 : i32 to vector<2x128xi32>
    %rem3A_1376 = arith.remsi %squeeze3A, %rem3A_1375 : vector<2x128xi32>
    %ne3A_1377 = arith.constant 0 : i32
    %ne3A_1378 = vector.broadcast %ne3A_1377 : i32 to vector<2x128xi32>
    %ne3A_1379 = arith.cmpi ne, %rem3A_1376, %ne3A_1378 : vector<2x128xi32>
    %and3A_1380 = arith.andi %ne3A_1374, %ne3A_1379 : vector<2x128xi1>
    %sub3A_1381 = arith.constant 1 : i32
    %sub3A_1382 = vector.broadcast %sub3A_1381 : i32 to vector<2x128xi32>
    %sub3A_1383 = arith.subi %div3A_1356, %sub3A_1382 : vector<2x128xi32>
    %select_n3A_1384 = arith.select %and3A_1380, %sub3A_1383, %div3A_1356 : vector<2x128xi1>, vector<2x128xi32>
    %add3A_1385 = arith.addi %mul3A_1353, %select_n3A_1384 : vector<2x128xi32>
    %concatenate3A_1386 = tpu.concatenate %add3A_1350, %add3A_1385 in 0 : vector<2x128xi32>, vector<2x128xi32> -> vector<4x128xi32>
    %mul3A_1387 = arith.constant 8192 : i32
    %mul3A_1388 = arith.muli %arg0, %mul3A_1387 : i32
    %add3A_1389 = vector.broadcast %mul3A_1388 : i32 to vector<4x128xi32>
    %add3A_1390 = arith.addi %concatenate3A_1386, %add3A_1389 : vector<4x128xi32>
    %swap3A_1391 = arith.constant 0 : index
    %swap3A_1392 = arith.constant 0 : index
    %swap3A_1393 = arith.constant 0 : index
    %swap3A_1394 = vector.load %arg29[%swap3A_1391, %swap3A_1392, %swap3A_1393] : memref<1x4x128xi32, #tpu.memory_space<vmem>>, vector<1x4x128xi32>
    %swap3A_1395 = vector.shape_cast %swap3A_1394 : vector<1x4x128xi32> to vector<4x128xi32>
    %swap3A_1396 = vector.shape_cast %add3A_1390 : vector<4x128xi32> to vector<1x4x128xi32>
    tpu.vector_store %arg29[%swap3A_1391, %swap3A_1392, %swap3A_1393], %swap3A_1396 {strides = array<i32>} : memref<1x4x128xi32, #tpu.memory_space<vmem>>, vector<1x4x128xi32>,
    %get3A_1397 = arith.constant 0 : index
    %get3A_1398 = arith.constant 0 : index
    %get3A_1399 = arith.constant 0 : index
    %get3A_1400 = vector.load %arg7[%get3A_1397, %get3A_1398, %get3A_1399] : memref<1x512x2xi32, #tpu.memory_space<vmem>>, vector<1x512x2xi32>
    %get3A_1401 = vector.shape_cast %get3A_1400 : vector<1x512x2xi32> to vector<512x2xi32>
    %add3A_1402 = arith.constant 1 : i32
    %add3A_1403 = vector.broadcast %add3A_1402 : i32 to vector<512x2xi32>
    %add3A_1404 = arith.addi %get3A_1401, %add3A_1403 : vector<512x2xi32>
    %get3A_1405 = arith.constant 0 : index
    %get3A_1406 = arith.constant 0 : index
    %get3A_1407 = arith.constant 0 : index
    %get3A_1408 = vector.load %arg8[%get3A_1405, %get3A_1406, %get3A_1407] : memref<1x2x512xi32, #tpu.memory_space<vmem>>, vector<1x2x512xi32>
    %get3A_1409 = vector.shape_cast %get3A_1408 : vector<1x2x512xi32> to vector<2x512xi32>
    %add3A_1410 = arith.constant 1 : i32
    %add3A_1411 = vector.broadcast %add3A_1410 : i32 to vector<2x512xi32>
    %add3A_1412 = arith.addi %get3A_1409, %add3A_1411 : vector<2x512xi32>
    %slice3A_1413 = vector.extract_strided_slice %add3A_1404 {offsets = [0, 0], sizes = [512, 1], strides = [1, 1]} : vector<512x2xi32> to vector<512x1xi32>
    %mul3A_1414 = arith.constant 128 : i32
    %mul3A_1415 = vector.broadcast %mul3A_1414 : i32 to vector<512x1xi32>
    %mul3A_1416 = arith.muli %slice3A_1413, %mul3A_1415 : vector<512x1xi32>
    %slice3A_1417 = vector.extract_strided_slice %add3A_1404 {offsets = [0, 1], sizes = [512, 1], strides = [1, 1]} : vector<512x2xi32> to vector<512x1xi32>
    %add3A_1418 = arith.addi %mul3A_1416, %slice3A_1417 : vector<512x1xi32>
    %slice3A_1419 = vector.extract_strided_slice %add3A_1412 {offsets = [0, 0], sizes = [1, 512], strides = [1, 1]} : vector<2x512xi32> to vector<1x512xi32>
    %mul3A_1420 = arith.constant 128 : i32
    %mul3A_1421 = vector.broadcast %mul3A_1420 : i32 to vector<1x512xi32>
    %mul3A_1422 = arith.muli %slice3A_1419, %mul3A_1421 : vector<1x512xi32>
    %slice3A_1423 = vector.extract_strided_slice %add3A_1412 {offsets = [1, 0], sizes = [1, 512], strides = [1, 1]} : vector<2x512xi32> to vector<1x512xi32>
    %add3A_1424 = arith.addi %mul3A_1422, %slice3A_1423 : vector<1x512xi32>
    %jit3A_1425 = arith.constant 2 : i32
    %div3A_1426 = vector.broadcast %jit3A_1425 : i32 to vector<512x1xi32>
    %div3A_1427 = arith.divsi %add3A_1418, %div3A_1426 : vector<512x1xi32>
    %sign3A_1428 = arith.constant 0 : i32
    %sign3A_1429 = vector.broadcast %sign3A_1428 : i32 to vector<512x1xi32>
    %sign3A_1430 = arith.cmpi sgt, %add3A_1418, %sign3A_1429 : vector<512x1xi32>
    %sign3A_1431 = arith.extui %sign3A_1430 : vector<512x1xi1> to vector<512x1xi32>
    %sign3A_1432 = arith.constant 0 : i32
    %sign3A_1433 = vector.broadcast %sign3A_1432 : i32 to vector<512x1xi32>
    %sign3A_1434 = arith.cmpi slt, %add3A_1418, %sign3A_1433 : vector<512x1xi32>
    %sign3A_1435 = arith.extui %sign3A_1434 : vector<512x1xi1> to vector<512x1xi32>
    %sign3A_1436 = arith.subi %sign3A_1431, %sign3A_1435 : vector<512x1xi32>
    %sign3A_1437 = arith.constant 0 : i32
    %sign3A_1438 = arith.cmpi sgt, %jit3A_1425, %sign3A_1437 : i32
    %sign3A_1439 = arith.extui %sign3A_1438 : i1 to i32
    %sign3A_1440 = arith.constant 0 : i32
    %sign3A_1441 = arith.cmpi slt, %jit3A_1425, %sign3A_1440 : i32
    %sign3A_1442 = arith.extui %sign3A_1441 : i1 to i32
    %sign3A_1443 = arith.subi %sign3A_1439, %sign3A_1442 : i32
    %ne3A_1444 = vector.broadcast %sign3A_1443 : i32 to vector<512x1xi32>
    %ne3A_1445 = arith.cmpi ne, %sign3A_1436, %ne3A_1444 : vector<512x1xi32>
    %rem3A_1446 = vector.broadcast %jit3A_1425 : i32 to vector<512x1xi32>
    %rem3A_1447 = arith.remsi %add3A_1418, %rem3A_1446 : vector<512x1xi32>
    %ne3A_1448 = arith.constant 0 : i32
    %ne3A_1449 = vector.broadcast %ne3A_1448 : i32 to vector<512x1xi32>
    %ne3A_1450 = arith.cmpi ne, %rem3A_1447, %ne3A_1449 : vector<512x1xi32>
    %and3A_1451 = arith.andi %ne3A_1445, %ne3A_1450 : vector<512x1xi1>
    %sub3A_1452 = arith.constant 1 : i32
    %sub3A_1453 = vector.broadcast %sub3A_1452 : i32 to vector<512x1xi32>
    %sub3A_1454 = arith.subi %div3A_1427, %sub3A_1453 : vector<512x1xi32>
    %select_n3A_1455 = arith.select %and3A_1451, %sub3A_1454, %div3A_1427 : vector<512x1xi1>, vector<512x1xi32>
    %mul3A_1456 = arith.constant 2 : i32
    %mul3A_1457 = vector.broadcast %mul3A_1456 : i32 to vector<512x1xi32>
    %mul3A_1458 = arith.muli %mul3A_1457, %select_n3A_1455 : vector<512x1xi32>
    %eq3A_1459 = vector.broadcast %add3A_1424 : vector<1x512xi32> to vector<512x512xi32>
    %eq3A_1460 = vector.broadcast %mul3A_1458 : vector<512x1xi32> to vector<512x512xi32>
    %eq3A_1461 = arith.cmpi eq, %eq3A_1459, %eq3A_1460 : vector<512x512xi32>
    %convert_element_type3A_1462 = arith.extui %eq3A_1461 : vector<512x512xi1> to vector<512x512xi32>
    %convert_element_type3A_1463 = arith.sitofp %convert_element_type3A_1462 : vector<512x512xi32> to vector<512x512xf32>
    %convert_element_type3A_1464 = arith.truncf %convert_element_type3A_1463 : vector<512x512xf32> to vector<512x512xbf16>
    %add3A_1465 = arith.constant 1 : i32
    %add3A_1466 = vector.broadcast %add3A_1465 : i32 to vector<512x1xi32>
    %add3A_1467 = arith.addi %mul3A_1458, %add3A_1466 : vector<512x1xi32>
    %eq3A_1468 = vector.broadcast %add3A_1424 : vector<1x512xi32> to vector<512x512xi32>
    %eq3A_1469 = vector.broadcast %add3A_1467 : vector<512x1xi32> to vector<512x512xi32>
    %eq3A_1470 = arith.cmpi eq, %eq3A_1468, %eq3A_1469 : vector<512x512xi32>
    %convert_element_type3A_1471 = arith.extui %eq3A_1470 : vector<512x512xi1> to vector<512x512xi32>
    %convert_element_type3A_1472 = arith.sitofp %convert_element_type3A_1471 : vector<512x512xi32> to vector<512x512xf32>
    %convert_element_type3A_1473 = arith.truncf %convert_element_type3A_1472 : vector<512x512xf32> to vector<512x512xbf16>
    %convert_element_type3A_1474 = arith.truncf %concatenate3A_1303 : vector<512x64xf32> to vector<512x64xbf16>
    %dot_general3A_1475 = arith.constant dense<0.000000e+00> : vector<512x64xf32>
    %dot_general3A_1476 = tpu.matmul %convert_element_type3A_1464, %convert_element_type3A_1474, %dot_general3A_1475 {dimension_numbers = #tpu.dot_dimension_numbers<[1], [0], [0], [1], [0, 0, 1, 1], [], []>, transpose_lhs_hint = false} : vector<512x512xbf16>, vector<512x64xbf16>, vector<512x64xf32> -> vector<512x64xf32>
    %dot_general3A_1477 = arith.constant dense<0.000000e+00> : vector<512x64xf32>
    %dot_general3A_1478 = tpu.matmul %convert_element_type3A_1473, %convert_element_type3A_1474, %dot_general3A_1477 {dimension_numbers = #tpu.dot_dimension_numbers<[1], [0], [0], [1], [0, 0, 1, 1], [], []>, transpose_lhs_hint = false} : vector<512x512xbf16>, vector<512x64xbf16>, vector<512x64xf32> -> vector<512x64xf32>
    %concatenate3A_1479 = tpu.concatenate %dot_general3A_1476, %dot_general3A_1478 in 1 : vector<512x64xf32>, vector<512x64xf32> -> vector<512x128xf32>
    %swap3A_1480 = arith.constant 0 : index
    %swap3A_1481 = arith.constant 0 : index
    %swap3A_1482 = arith.constant 0 : index
    %swap3A_1483 = vector.load %arg28[%swap3A_1480, %swap3A_1481, %swap3A_1482] : memref<1x512x128xf32, #tpu.memory_space<vmem>>, vector<1x512x128xf32>
    %swap3A_1484 = vector.shape_cast %swap3A_1483 : vector<1x512x128xf32> to vector<512x128xf32>
    %swap3A_1485 = vector.shape_cast %concatenate3A_1479 : vector<512x128xf32> to vector<1x512x128xf32>
    tpu.vector_store %arg28[%swap3A_1480, %swap3A_1481, %swap3A_1482], %swap3A_1485 {strides = array<i32>} : memref<1x512x128xf32, #tpu.memory_space<vmem>>, vector<1x512x128xf32>,
    return
  }
  func.func @transform_0(%arg0: i32) -> (i32, i32, i32) {
    %c0_i32 = arith.constant 0 : i32
    %c0_i32_0 = arith.constant 0 : i32
    %c0_i32_1 = arith.constant 0 : i32
    return %arg0, %c0_i32, %c0_i32_0 : i32, i32, i32
  }
  func.func @transform_1(%arg0: i32) -> (i32, i32, i32) {
    %c0_i32 = arith.constant 0 : i32
    %c0_i32_0 = arith.constant 0 : i32
    %c0_i32_1 = arith.constant 0 : i32
    return %arg0, %c0_i32, %c0_i32_0 : i32, i32, i32
  }
  func.func @transform_2(%arg0: i32) -> (i32, i32, i32) {
    %c0_i32 = arith.constant 0 : i32
    %c0_i32_0 = arith.constant 0 : i32
    %c0_i32_1 = arith.constant 0 : i32
    return %arg0, %c0_i32, %c0_i32_0 : i32, i32, i32
  }
  func.func @transform_3(%arg0: i32) -> (i32, i32, i32) {
    %c0_i32 = arith.constant 0 : i32
    %c0_i32_0 = arith.constant 0 : i32
    %c0_i32_1 = arith.constant 0 : i32
    return %arg0, %c0_i32, %c0_i32_0 : i32, i32, i32
  }
  func.func @transform_4(%arg0: i32) -> (i32, i32, i32) {
    %c0_i32 = arith.constant 0 : i32
    %c0_i32_0 = arith.constant 0 : i32
    %c0_i32_1 = arith.constant 0 : i32
    return %arg0, %c0_i32, %c0_i32_0 : i32, i32, i32
  }
  func.func @transform_5(%arg0: i32) -> (i32, i32, i32, i32) {
    %c0_i32 = arith.constant 0 : i32
    %c0_i32_0 = arith.constant 0 : i32
    %c0_i32_1 = arith.constant 0 : i32
    %c0_i32_2 = arith.constant 0 : i32
    return %arg0, %c0_i32, %c0_i32_0, %c0_i32_1 : i32, i32, i32, i32
  }
  func.func @transform_6(%arg0: i32) -> (i32, i32, i32) {
    %c0_i32 = arith.constant 0 : i32
    %c0_i32_0 = arith.constant 0 : i32
    %c0_i32_1 = arith.constant 0 : i32
    return %arg0, %c0_i32, %c0_i32_0 : i32, i32, i32
  }
  func.func @transform_7(%arg0: i32) -> (i32, i32, i32) {
    %c0_i32 = arith.constant 0 : i32
    %c0_i32_0 = arith.constant 0 : i32
    %c0_i32_1 = arith.constant 0 : i32
    return %arg0, %c0_i32, %c0_i32_0 : i32, i32, i32
  }
  func.func @transform_8(%arg0: i32) -> (i32, i32) {
    %c0_i32 = arith.constant 0 : i32
    %c0_i32_0 = arith.constant 0 : i32
    %c0_i32_1 = arith.constant 0 : i32
    return %c0_i32, %c0_i32_0 : i32, i32
  }
  func.func @transform_9(%arg0: i32) -> (i32, i32) {
    %c0_i32 = arith.constant 0 : i32
    %c0_i32_0 = arith.constant 0 : i32
    %c0_i32_1 = arith.constant 0 : i32
    return %c0_i32, %c0_i32_0 : i32, i32
  }
  func.func @transform_10(%arg0: i32) -> (i32, i32) {
    %c0_i32 = arith.constant 0 : i32
    %c0_i32_0 = arith.constant 0 : i32
    %c0_i32_1 = arith.constant 0 : i32
    return %c0_i32, %c0_i32_0 : i32, i32
  }
  func.func @transform_11(%arg0: i32) -> (i32, i32) {
    %c0_i32 = arith.constant 0 : i32
    %c0_i32_0 = arith.constant 0 : i32
    %c0_i32_1 = arith.constant 0 : i32
    return %c0_i32, %c0_i32_0 : i32, i32
  }
  func.func @transform_12(%arg0: i32) -> (i32, i32) {
    %c0_i32 = arith.constant 0 : i32
    %c0_i32_0 = arith.constant 0 : i32
    %c0_i32_1 = arith.constant 0 : i32
    return %c0_i32, %c0_i32_0 : i32, i32
  }
  func.func @transform_13(%arg0: i32) -> (i32, i32) {
    %c0_i32 = arith.constant 0 : i32
    %c0_i32_0 = arith.constant 0 : i32
    %c0_i32_1 = arith.constant 0 : i32
    return %c0_i32, %c0_i32_0 : i32, i32
  }
  func.func @transform_14(%arg0: i32) -> (i32, i32) {
    %c0_i32 = arith.constant 0 : i32
    %c0_i32_0 = arith.constant 0 : i32
    %c0_i32_1 = arith.constant 0 : i32
    return %c0_i32, %c0_i32_0 : i32, i32
  }
  func.func @transform_15(%arg0: i32) -> (i32, i32) {
    %c0_i32 = arith.constant 0 : i32
    %c0_i32_0 = arith.constant 0 : i32
    %c0_i32_1 = arith.constant 0 : i32
    return %c0_i32, %c0_i32_0 : i32, i32
  }
  func.func @transform_16(%arg0: i32) -> (i32, i32) {
    %c0_i32 = arith.constant 0 : i32
    %c0_i32_0 = arith.constant 0 : i32
    %c0_i32_1 = arith.constant 0 : i32
    return %c0_i32, %c0_i32_0 : i32, i32
  }
  func.func @transform_17(%arg0: i32) -> (i32, i32) {
    %c0_i32 = arith.constant 0 : i32
    %c0_i32_0 = arith.constant 0 : i32
    %c0_i32_1 = arith.constant 0 : i32
    return %c0_i32, %c0_i32_0 : i32, i32
  }
  func.func @transform_18(%arg0: i32) -> (i32, i32) {
    %c0_i32 = arith.constant 0 : i32
    %c0_i32_0 = arith.constant 0 : i32
    %c0_i32_1 = arith.constant 0 : i32
    return %c0_i32, %c0_i32_0 : i32, i32
  }
  func.func @transform_19(%arg0: i32) -> (i32, i32) {
    %c0_i32 = arith.constant 0 : i32
    %c0_i32_0 = arith.constant 0 : i32
    %c0_i32_1 = arith.constant 0 : i32
    return %c0_i32, %c0_i32_0 : i32, i32
  }
  func.func @transform_20(%arg0: i32) -> (i32, i32) {
    %c0_i32 = arith.constant 0 : i32
    %c0_i32_0 = arith.constant 0 : i32
    %c0_i32_1 = arith.constant 0 : i32
    return %c0_i32, %c0_i32_0 : i32, i32
  }
  func.func @transform_21(%arg0: i32) -> (i32, i32) {
    %c0_i32 = arith.constant 0 : i32
    %c0_i32_0 = arith.constant 0 : i32
    %c0_i32_1 = arith.constant 0 : i32
    return %c0_i32, %c0_i32_0 : i32, i32
  }
  func.func @transform_22(%arg0: i32) -> (i32, i32) {
    %c0_i32 = arith.constant 0 : i32
    %c0_i32_0 = arith.constant 0 : i32
    %c0_i32_1 = arith.constant 0 : i32
    return %c0_i32, %c0_i32_0 : i32, i32
  }
  func.func @transform_23(%arg0: i32) -> (i32, i32) {
    %c0_i32 = arith.constant 0 : i32
    %c0_i32_0 = arith.constant 0 : i32
    %c0_i32_1 = arith.constant 0 : i32
    return %c0_i32, %c0_i32_0 : i32, i32
  }
  func.func @transform_24(%arg0: i32) -> (i32, i32) {
    %c0_i32 = arith.constant 0 : i32
    %c0_i32_0 = arith.constant 0 : i32
    %c0_i32_1 = arith.constant 0 : i32
    return %c0_i32, %c0_i32_0 : i32, i32
  }
  func.func @transform_25(%arg0: i32) -> (i32, i32) {
    %c0_i32 = arith.constant 0 : i32
    %c0_i32_0 = arith.constant 0 : i32
    %c0_i32_1 = arith.constant 0 : i32
    return %c0_i32, %c0_i32_0 : i32, i32
  }
  func.func @transform_26(%arg0: i32) -> (i32, i32, i32) {
    %c0_i32 = arith.constant 0 : i32
    %c0_i32_0 = arith.constant 0 : i32
    %c0_i32_1 = arith.constant 0 : i32
    return %arg0, %c0_i32, %c0_i32_0 : i32, i32, i32
  }
  func.func @transform_27(%arg0: i32) -> (i32, i32, i32) {
    %c0_i32 = arith.constant 0 : i32
    %c0_i32_0 = arith.constant 0 : i32
    %c0_i32_1 = arith.constant 0 : i32
    return %arg0, %c0_i32, %c0_i32_0 : i32, i32, i32
  }
  func.func @transform_28(%arg0: i32) -> (i32, i32, i32) {
    %c0_i32 = arith.constant 0 : i32
    %c0_i32_0 = arith.constant 0 : i32
    %c0_i32_1 = arith.constant 0 : i32
    return %arg0, %c0_i32, %c0_i32_0 : i32, i32, i32
  }
}

</mosaic_0001>

<sc_bundles>
// kernel: kernel.4.cloned.1.call-start
scs
__scs_entry_jumppad:
0x0: {  	(pc) =	sbr.rel $0x88, $3  }
0x1: {  	(tag) =	ssettag $0x0;
	lr =	simm.s32 $0x1  }
0x2: {  	[smem:$0x3F8A] =	sst lr;
	_ =	strace $0xD0000000  }
0x3: {  	_ = 	snop  }
0x4: {  	_ = 	snop  }
0x5: {  	_ = 	snop  }
0x6: {  	_ = 	snop  }
0x7: {  	_ = 	snop  }
__scs_overlays_trampoline_lowered:
0x8: {  	[smem:$0x3F99] =	sst s0  }
0x9: {  	[smem:$0x3F9A] =	sst s1  }
0xa: {  	[smem:$0x3F9B] =	sst s2  }
0xb: {  	[smem:$0x3F9C] =	sst s3  }
0xc: {  	[smem:$0x3F9D] =	sst s4  }
0xd: {  	[smem:$0x3F9E] =	sst s5  }
0xe: {  	[smem:$0x3F9F] =	sst s6  }
0xf: {  	[smem:$0x3FA0] =	sst s7  }
0x10: {  	[smem:$0x3FA1] =	sst s8  }
0x11: {  	[smem:$0x3FA2] =	sst s9;
	s0 =	simm.s32 @!p0 $0x0  }
0x12: {  	s1 =	sld [smem:$0x3F88];
	s0 =	simm.s32 @p0 $0x1  }
0x13: {  	[smem:$0x3FA3] =	sst s0;
	s0 =	simm.s32 @!p1 $0x0  }
0x14: {  	s2 =	sld [smem:$0x3F87];
	s0 =	simm.s32 @p1 $0x1  }
0x15: {  	[smem:$0x3FA4] =	sst s0;
	s0 =	simm.s32 @!p2 $0x0  }
0x16: {  	s3 =	sld [smem:$0x3FDB];
	s0 =	simm.s32 @p2 $0x1  }
0x17: {  	s4 =	simm.s32 $0x1BF5;
	[smem:$0x3FA6] =	sst s0  }
0x18: {  	s0 =	sld [smem:$0x3F89];
	_ =	swait.ge [sflag:s4], $0x0  }
0x19: {  	s7 =	sld [smem:$0x3F8A]  }
0x1a: {  	s8 =	sadd.s32 $0xFFFFE003, lr  }
0x1b: {  	s9 =	sadd.s32 $0xFFFFFEF7, lr;
	s5 =	simm.s32 $0xFFFFFFFF;
	p2 =	slt.u32 s8, $0xFFFFF086  }
0x1c: {  	p1 =	slt.u32 s9, $0xF7A;
	s5 =	simm.s32 @!p2 $0x0  }
0x1d: {  	s5 =	simm.s32 @p1 $0x1;
	p0 =	seq.s32 s7, s2  }
0x1e: {  	s7 =	smul.u32 @!p0 $0xF7A, s2;
	p2 =	seq.s32 @!p0 s5, $0x0  }
0x1f: {  	s9 =	smul.u32 $0xF7A, s1;
	s8 =	simm.s32 @!p0 $0x1BF5;
	p2 =	por !p2, p0  }
0x20: {  	[sflag:s8] =	ssyncset.s32 @!p0 $0xFFFFF086;
	s6 =	sadd.s32 @!p0 s3, s7;
	s7 =	simm.s32 @!p0 $0x108  }
0x21: {  	s3 =	sadd.s32 s3, s9;
	s6 =	sadd.s32 @!p0 $0x88, s6;
	s7 =	simm.s32 @p2 $0x1082  }
0x22: {  	[simem:s7], [sflag:s8] =	dma.local @!p0 [hbm:s6], $0xF7A  }
0x23: {  	s9 =	sor.u32 $0xD0000000, s2;
	s6 =	simm.s32 $0x108;
	_ =	swait.ge @!p0 [sflag:s8], $0x0  }
0x24: {  	s3 =	sadd.s32 $0x88, s3;
	s6 =	simm.s32 @!p1 $0x1082;
	[sflag:s4] =	ssyncset.s32 $0xFFFFF086  }
0x25: {  	[simem:s6], [sflag:s4] =	dma.local [hbm:s3], $0xF7A  }
0x26: {  	[smem:$0x3F8A] =	sst s1;
	(tag) =	ssettag s2;
	_ =	strace s9  }
0x27: {  	s1 =	sld [smem:$0x3F9A]  }
0x28: {  	s2 =	sld [smem:$0x3F9B]  }
0x29: {  	s4 =	sld [smem:$0x3F9D]  }
0x2a: {  	p0 =	seq.s32 s5, $0x0;
	s5 =	sld [smem:$0x3F9E]  }
0x2b: {  	s6 =	sld [smem:$0x3F9F]  }
0x2c: {  	s7 =	sld [smem:$0x3FA0]  }
0x2d: {  	s3 =	simm.s32 $0x108;
	s8 =	sld [smem:$0x3FA1]  }
0x2e: {  	s3 =	simm.s32 @!p0 $0x1082;
	s9 =	sld [smem:$0x3FA2]  }
0x2f: {  	lr =	sadd.s32 s0, s3;
	s0 =	sld [smem:$0x3F99]  }
0x30: {  	s3 =	sld [smem:$0x3F9C]  }
0x31: {  	[smem:$0x3FA5] =	sst s10  }
0x32: {  	s10 =	sld [smem:$0x3FA3];
	_ =	sdelay $0x3  }
0x33: {  	p0 =	seq.s32 s10, $0x1;
	s10 =	sld [smem:$0x3FA5];
	_ =	sdelay $0x3  }
0x34: {  	[smem:$0x3FA5] =	sst s10  }
0x35: {  	s10 =	sld [smem:$0x3FA4];
	_ =	sdelay $0x3  }
0x36: {  	p1 =	seq.s32 s10, $0x1;
	s10 =	sld [smem:$0x3FA5];
	_ =	sdelay $0x3  }
0x37: {  	[smem:$0x3FA5] =	sst s10  }
0x38: {  	s10 =	sld [smem:$0x3FA6]  }
0x39: {  	_ = 	snop;
	(pc) =	sbr.ind lr, $3  }
0x3a: {  	_ = 	snop  }
0x3b: {  	_ = 	snop  }
0x3c: {  	p2 =	seq.s32 s10, $0x1;
	s10 =	sld [smem:$0x3FA5]  }
0x3d: {  	_ =	shalt  }
0x3e: {  	_ =	shalt  }
0x3f: {  	_ =	shalt  }
0x40: {  	_ =	shalt  }
0x41: {  	_ =	shalt  }
0x42: {  	_ =	shalt  }
0x43: {  	_ =	shalt  }
0x44: {  	_ =	shalt  }
0x45: {  	_ =	shalt  }
0x46: {  	_ =	shalt  }
0x47: {  	_ =	shalt  }
0x48: {  	_ =	shalt  }
0x49: {  	_ =	shalt  }
0x4a: {  	_ =	shalt  }
0x4b: {  	_ =	shalt  }
0x4c: {  	_ =	shalt  }
0x4d: {  	_ =	shalt  }
0x4e: {  	_ =	shalt  }
0x4f: {  	_ =	shalt  }
0x50: {  	_ =	shalt  }
0x51: {  	_ =	shalt  }
0x52: {  	_ =	shalt  }
0x53: {  	_ =	shalt  }
0x54: {  	_ =	shalt  }
0x55: {  	_ =	shalt  }
0x56: {  	_ =	shalt  }
0x57: {  	_ =	shalt  }
0x58: {  	_ =	shalt  }
0x59: {  	_ =	shalt  }
0x5a: {  	_ =	shalt  }
0x5b: {  	_ =	shalt  }
0x5c: {  	_ =	shalt  }
0x5d: {  	_ =	shalt  }
0x5e: {  	_ =	shalt  }
0x5f: {  	_ =	shalt  }
0x60: {  	_ =	shalt  }
0x61: {  	_ =	shalt  }
0x62: {  	_ =	shalt  }
0x63: {  	_ =	shalt  }
0x64: {  	_ =	shalt  }
0x65: {  	_ =	shalt  }
0x66: {  	_ =	shalt  }
0x67: {  	_ =	shalt  }
0x68: {  	_ =	shalt  }
0x69: {  	_ =	shalt  }
0x6a: {  	_ =	shalt  }
0x6b: {  	_ =	shalt  }
0x6c: {  	_ =	shalt  }
0x6d: {  	_ =	shalt  }
0x6e: {  	_ =	shalt  }
0x6f: {  	_ =	shalt  }
0x70: {  	_ =	shalt  }
0x71: {  	_ =	shalt  }
0x72: {  	_ =	shalt  }
0x73: {  	_ =	shalt  }
0x74: {  	_ =	shalt  }
0x75: {  	_ =	shalt  }
0x76: {  	_ =	shalt  }
0x77: {  	_ =	shalt  }
0x78: {  	_ =	shalt  }
0x79: {  	_ =	shalt  }
0x7a: {  	_ =	shalt  }
0x7b: {  	_ =	shalt  }
0x7c: {  	_ =	shalt  }
0x7d: {  	_ =	shalt  }
0x7e: {  	_ =	shalt  }
0x7f: {  	_ =	shalt  }
0x80: {  	_ =	shalt  }
0x81: {  	_ =	shalt  }
0x82: {  	_ =	shalt  }
0x83: {  	_ =	shalt  }
0x84: {  	_ =	shalt  }
0x85: {  	_ =	shalt  }
0x86: {  	_ =	shalt  }
0x87: {  	_ =	shalt  }
.Lfunc_end0:
.L_simem_size_0:
called_computation.1_lowered:
.L_overlay_start_0:
0x88: {  	s2 =	sld [smem:$0x3FD9]  }
0x89: {  	s3 =	sld [smem:$0x3FFE];
	_ =	sdelay $0x1  }
0x8a: {  	s1 =	srdreg.scid  }
0x8b: {  	s0 =	sand.u32 $0x1, s1  }
0x8c: {  	s17 =	sshll.u32 s0, $0xA;
	s2 =	sadd.s32 s3, s2  }
0x8d: {  	s2 =	sadd.s32 s2, s17  }
0x8e: {  	[smem:$0x3FB1] =	sst s2  }
0x8f: {  	_ = 	snop  }
0x90: {  	s2 =	sld [smem:$0x3FD0];
	(tm) =	ssettm $0x1  }
0x91: {  	s18 =	sld [smem:$0x3FFB];
	_ =	sdelay $0x3  }
0x92: {  	_ =	strace s18  }
0x93: {  	s3 =	sld [smem:$0x3FFC];
	_ =	sdelay $0x3  }
0x94: {  	_ =	strace s3  }
0x95: {  	s3 =	sld [smem:$0x3FFD];
	_ =	sdelay $0x3  }
0x96: {  	_ =	strace s3  }
0x97: {  	_ =	strace $0x8FFFFFFF  }
0x98: {  	s19 =	sld [smem:$0x3FDB];
	_ =	sdelay $0x1  }
0x99: {  	s4 =	simm.s32 $_scs_section_size  }
0x9a: {  	s5 =	simm.s32 $_size__tile_overlayer_lowered;
	s6 =	simm.s32 $_tile_overlayer_lowered  }
0x9b: {  	s22 =	simm.s32 $0x1BFF;
	s21 =	sshll.u32 s6, $0x1;
	s3 =	sadd.s32 s4, s19  }
0x9c: {  	s7 =	simm.s32 $0x0;
	s20 =	sshll.u32 s5, $0x1;
	s5 =	sadd.s32 s21, s3  }
0x9d: {  	[timem:s7], [sflag:s22] =	dma.local [hbm:s5], s20  }
0x9e: {  	_ =	swait.ge [sflag:s22], s20  }
0x9f: {  	s4 =	ssub.s32 $0x0, s20;
	[sflag:s22] =	ssyncset.done $0x0  }
0xa0: {  	[sflag:s22] =	ssyncadd.s32 s4;
	_ =	sdelay $0x1  }
0xa1: {  	s23 =	simm.s32 $0x1B8B  }
0xa2: {  	_ =	swait.ge [sflag:s23], $0x1  }
0xa3: {  	[sflag:s23] =	ssyncset.done $0x0  }
0xa4: {  	s25 =	simm.s32 $0x1B8E;
	s24 =	sld [smem:$0x3FFE];
	[sflag:s23] =	ssyncadd.s32 $0xFFFFFFFF  }
0xa5: {  	s26 =	simm.s32 $execute0_lowered;
	[smem:$0x3FD2] =	sst s25  }
0xa6: {  	s5 =	sshll.u32 s26, $0x1;
	_ =	strace $0x80000046;
	[dreg:$0x1] =	wrdreg $0xFFFFFFFF  }
0xa7: {  	s28 =	simm.s32 $_size_execute0_lowered;
	s3 =	sadd.s32 s3, s5;
	[dreg:$0x0] =	wrdreg $0x0  }
0xa8: {  	s5 =	sshll.u32 s28, $0x1;
	[dreg:$0x2] =	wrdreg s3  }
0xa9: {  	[dreg:$0x3] =	wrdreg s5  }
0xaa: {  	[dreg:$0x4] =	wrdreg $0xC0  }
0xab: {  	_ =	task [dreg:s7], $0x5FFFF  }
0xac: {  	[dreg:$0x1] =	wrdreg $0xFFFFFFFF  }
0xad: {  	[dreg:$0x0] =	wrdreg $0x60  }
0xae: {  	[dreg:$0x2] =	wrdreg s2  }
0xaf: {  	[dreg:$0x3] =	wrdreg s24  }
0xb0: {  	[dreg:$0x4] =	wrdreg $0x9  }
0xb1: {  	_ =	task.clear_ibuf [dreg:s7], $0x5FFFF;
	_ =	strace $0x90000046  }
0xb2: {  	s29 =	simm.s32 $0x9;
	_ =	strace $0x80000048  }
0xb3: {  	_ =	swait.ge [sflag:s29], $0x1  }
0xb4: {  	[sflag:s29] =	ssyncadd.s32 $0xFFFFFFFF  }
0xb5: {  	_ =	strace $0x90000048  }
0xb6: {  	_ =	sfence  }
0xb7: {  	s30 =	sld [smem:$0x0];
	_ =	sdelay $0x2  }
0xb8: {  	s31 =	sshll.u32 s1, $0xD;
	s1 =	sshrl.u32 s1, $0x2  }
0xb9: {  	s3 =	sand.u32 $0x4000, s31;
	s1 =	sadd.s32 s1, s30  }
0xba: {  	s0 =	sor.u32 s3, s0;
	s1 =	sshll.u32 s1, $0x11  }
0xbb: {  	s0 =	sor.u32 s1, s0  }
0xbc: {  	s0 =	sadd.s32 $0x8F2B, s0  }
0xbd: {  	[sflag:s0] =	ssyncadd.remote.s32 $0x1  }
0xbe: {  	_ =	sfence.sel $0xFFFF  }
0xbf: {  	[dreg:$0x0] =	wrdreg $0xFFFFFFFF;
	(pc) =	sbr.abs _section_cstart, $3  }
0xc0: {  	[dreg:$0x1] =	wrdreg $0xFFFFFFFF  }
0xc1: {  	_ =	task.clear_ibuf [dreg:s7], $0x2FFFF;
	_ =	strace $0x9FFFFFFF  }
0xc2: {  	(tm) =	ssettm $0x7FFFFFFF  }
0xc3: {  	_ =	shalt  }
tec
execute0_lowered:
.L_overlay_start_1:
0x0: {  	(tag) =	ssettag $0x1  }
0x1: {  	s2 =	rddreg [dreg:$0x0]  }
0x2: {  	s4 =	rddreg [dreg:$0x1]  }
0x3: {  	s0 =	rddreg [dreg:$0x2];
	s3 =	simm.s32 $0x0;
	s1 =	stileid.u32  }
0x4: {  	s6 =	srdreg.scid;
	s10 =	simm.s32 $0x8100;
	s11 =	simm.s32 $0xC100  }
0x5: {  	s12 =	simm.s32 $0x1;
	s13 =	simm.s32 $0x0;
	[smem:$0x7FF] =	sst s3  }
0x6: {  	s5 =	sand.u32 $0x1, s1;
	s6 =	sand.u32 $0x1, s6;
	s9 =	sshrl.u32 s1, $0x1  }
0x7: {  	s28 =	sshll.u32 s1, $0x5;
	_ =	strace $0x80000047;
	s7 =	sshll.u32 s5, $0x5  }
0x8: {  	s8 =	sshll.u32 s6, $0x3;
	s5 =	sshll.u32 s5, $0xC;
	s6 =	ssub.s32 $0x2, s6  }
0x9: {  	s7 =	sadd.s32 s7, s4;
	s8 =	sor.u32 s9, s8;
	s5 =	sadd.s32 s5, s4  }
0xa: {  	s9 =	sand.u32 $0x40, s28;
	s30 =	sshrl.u32 s6, $0x1;
	s29 =	sshll.u32 s8, $0x6  }
0xb: {  	s7 =	sadd.s32 s9, s7;
	s31 =	sshll.u32 s8, $0xD;
	s6 =	ssub.s32 s6, s30  }
0xc: {  	s8 =	simm.s32 $0x100;
	s9 =	simm.s32 $0x80;
	s4 =	sand.u32 $0x380, s29  }
0xd: {  	s5 =	sadd.s32 s31, s5;
	s6 =	smax.u32 s6, $0x1;
	s4 =	sadd.s32 s4, s7  }
0xe: {  	s5 =	sadd.s32 $0x82200, s5;
	s7 =	simm.s32 $0x2;
	s4 =	sadd.s32 $0xA2200, s4  }
.LBB2_1:
0xf: {  	[tilespmem:s3], [sflag:$0x2] =	stream.linear.gather [hbm4b:s4+s3], $0x100, $0x38;
	[tilespmem:$0x10100] =	vst v63  }
0x10: {  	_ =	swait.ge [sflag:s7], $0x100  }
0x11: {  	[sflag:s7] =	ssyncset.done $0x0  }
0x12: {  	[sflag:s7] =	ssyncadd.s32 $0xFFFFFF00  }
0x13: {  	[tilespmem:s8], [sflag:$0x2] =	stream.linear.gather [hbm4b:s5+s3], $0x8000, $0x38;
	[tilespmem:$0x10100] =	vst v63  }
0x14: {  	_ =	swait.ge [sflag:s7], $0x8000  }
0x15: {  	[sflag:s7] =	ssyncset.done $0x0  }
0x16: {  	[sflag:s7] =	ssyncadd.s32 $0xFFFF8000  }
0x17: {  	[tilespmem:s10], [sflag:$0x1] =	stream.indirect.gather [hbm4b:s2+s9], $0x80, s3, s9, $0xb8;
	[tilespmem:$0x10100] =	vst v63  }
0x18: {  	_ = 	snop  }
0x19: {  	[tilespmem:s11], [sflag:$0x1] =	stream.indirect.gather [hbm4b:s2+s9], $0x80, s9, s9, $0xb8;
	[tilespmem:$0x10100] =	vst v63  }
0x1a: {  	_ =	swait.ge [sflag:s12], $0x4000  }
0x1b: {  	[sflag:s12] =	ssyncset.done $0x0  }
0x1c: {  	[sflag:s12] =	ssyncadd.s32 $0xFFFFC000  }
0x1d: {  	_ =	swait.ge [sflag:s12], $0x4000  }
0x1e: {  	[sflag:s12] =	ssyncset.done $0x0  }
0x1f: {  	s14 =	simm.s32 $0x0;
	[sflag:s12] =	ssyncadd.s32 $0xFFFFC000  }
0x20: {  	v7 =	vld [tilespmem:s14+$0x100]  }
0x21: {  	v11 =	vld [tilespmem:s14+$0x110]  }
0x22: {  	v5 =	vld [tilespmem:s14+$0x120]  }
0x23: {  	v4 =	vld [tilespmem:s14+$0x130]  }
0x24: {  	v3 =	vld [tilespmem:s14+$0x140]  }
0x25: {  	v2 =	vld [tilespmem:s14+$0x150]  }
0x26: {  	v1 =	vld [tilespmem:s14+$0x160]  }
0x27: {  	v0 =	vld [tilespmem:s14+$0x170]  }
0x28: {  	v12 =	vld [tilespmem:s14+$0x8100]  }
0x29: {  	v13 =	vld [tilespmem:s14+$0x8110]  }
0x2a: {  	v10 =	vld [tilespmem:s14+$0x8120]  }
0x2b: {  	v9 =	vld [tilespmem:s14+$0x8130]  }
0x2c: {  	v8 =	vld [tilespmem:s14+$0x8140]  }
0x2d: {  	v6 =	vld [tilespmem:s14+$0x8150];
	v12 =	vadd.f32 v7, v12  }
0x2e: {  	s15 =	simm.s32 $0x200;
	v11 =	vadd.f32 v11, v13;
	v7 =	vld [tilespmem:s14+$0x8160]  }
.LBB2_2:
0x2f: {  	s16 =	sshra.s32 s15, $0x2;
	p0 =	sne.s32 s15, $0x1FE00;
	[tilespmem:s14+$0x8100] =	vst v12;
	v5 =	vadd.f32 v5, v10;
	v10 =	vld [tilespmem:s14+$0x8170]  }
0x30: {  	v12 =	vld [tilespmem:s16+$0x100];
	[tilespmem:s14+$0x8110] =	vst v11;
	v4 =	vadd.f32 v4, v9  }
0x31: {  	v11 =	vld [tilespmem:s16+$0x110];
	[tilespmem:s14+$0x8120] =	vst v5;
	v3 =	vadd.f32 v3, v8  }
0x32: {  	v5 =	vld [tilespmem:s16+$0x120];
	[tilespmem:s14+$0x8130] =	vst v4;
	v2 =	vadd.f32 v2, v6  }
0x33: {  	v4 =	vld [tilespmem:s16+$0x130];
	[tilespmem:s14+$0x8140] =	vst v3;
	v1 =	vadd.f32 v1, v7  }
0x34: {  	v3 =	vld [tilespmem:s16+$0x140];
	[tilespmem:s14+$0x8150] =	vst v2;
	v0 =	vadd.f32 v0, v10  }
0x35: {  	v2 =	vld [tilespmem:s16+$0x150];
	[tilespmem:s14+$0x8160] =	vst v1  }
0x36: {  	v1 =	vld [tilespmem:s16+$0x160];
	[tilespmem:s14+$0x8170] =	vst v0;
	s14 =	smov.u32 s16  }
0x37: {  	v0 =	vld [tilespmem:s14+$0x170]  }
0x38: {  	v6 =	vld [tilespmem:s14+$0x8100]  }
0x39: {  	v7 =	vld [tilespmem:s14+$0x8110]  }
.Ltmp0:
0x3a: {  	v10 =	vld [tilespmem:s14+$0x8120];
	(pc) =	sbr.rel @p0 .LBB2_2-.Ltmp0, $4  }
0x3b: {  	v9 =	vld [tilespmem:s14+$0x8130]  }
0x3c: {  	v8 =	vld [tilespmem:s14+$0x8140]  }
0x3d: {  	v12 =	vadd.f32 v12, v6;
	v6 =	vld [tilespmem:s14+$0x8150]  }
0x3e: {  	s15 =	sadd.s32 $0x200, s15;
	v11 =	vadd.f32 v11, v7;
	v7 =	vld [tilespmem:s14+$0x8160]  }
0x3f: {  	[tilespmem:s14+$0x8100] =	vst v12;
	v5 =	vadd.f32 v5, v10;
	v63 =	vld [tilespmem:s14+$0x8170]  }
0x40: {  	[tilespmem:s14+$0x8110] =	vst v11;
	v4 =	vadd.f32 v4, v9  }
0x41: {  	[tilespmem:s14+$0x8120] =	vst v5;
	v3 =	vadd.f32 v3, v8  }
0x42: {  	[tilespmem:s14+$0x8130] =	vst v4;
	v2 =	vadd.f32 v2, v6  }
0x43: {  	[tilespmem:s14+$0x8140] =	vst v3;
	v1 =	vadd.f32 v1, v7  }
0x44: {  	[tilespmem:s14+$0x8150] =	vst v2;
	v0 =	vadd.f32 v0, v63  }
0x45: {  	[tilespmem:s14+$0x8160] =	vst v1  }
0x46: {  	[tilespmem:s14+$0x8170] =	vst v0  }
0x47: {  	[bflag:$0x0] =	sbarrier.arrive $0xFFFF  }
0x48: {  	[hbm4b:s2+s9] =	stream.indirect.scatter [tilespmem:s10], [sflag:$0x1], $0x80, s3, s9, $0xb8;
	[tilespmem:$0x10100] =	vst v63  }
0x49: {  	s13 =	sadd.s32 $0x1, s13  }
0x4a: {  	[hbm4b:s2+s9] =	stream.indirect.scatter [tilespmem:s11], [sflag:$0x1], $0x80, s9, s9, $0xb8;
	[tilespmem:$0x10100] =	vst v63  }
0x4b: {  	p0 =	sne.s32 s13, s6;
	_ =	swait.ge [sflag:s12], $0x4000  }
.Ltmp1:
0x4c: {  	[sflag:s12] =	ssyncset.done $0x0;
	(pc) =	sbr.rel @p0 .LBB2_1-.Ltmp1, $4  }
0x4d: {  	[sflag:s12] =	ssyncadd.s32 $0xFFFFC000  }
0x4e: {  	_ =	swait.ge [sflag:s12], $0x4000  }
0x4f: {  	[sflag:s12] =	ssyncset.done $0x0  }
0x50: {  	[sflag:s12] =	ssyncadd.s32 $0xFFFFC000  }
0x51: {  	_ =	sfence.sel $0x180000  }
0x52: {  	[bflag:$0x0] =	sbarrier.arrive $0xFFFF  }
0x53: {  	p0 =	sne.s32 s1, $0x0;
	_ =	strace $0x90000047  }
0x54: {  	s0 =	sadd.s32 @!p0 $0x100000, s0;
	[bflag:$0x2] =	sbarrier.arrive $0xFFFF  }
0x55: {  	[sflag:s0] =	ssyncadd.tile.s32 @!p0 $0x1;
	_ =	shalt  }
.Lfunc_end2:
_tile_overlayer_lowered:
.L_overlay_start_2:
0x56: {  	(tag) =	ssettag $0x2  }
0x57: {  	s0 =	rddreg [dreg:$0x0];
	s2 =	stileid.u32  }
0x58: {  	s1 =	rddreg [dreg:$0x1];
	p0 =	sne.s32 s2, $0x0  }
0x59: {  	s3 =	rddreg [dreg:$0x2];
	[bflag:$0x3] =	sbarrier.arrive $0xFFFF;
	s2 =	simm.s32 @!p0 $0x1C02  }
0x5a: {  	[timem:s3], [sflag:s2] =	dma.local @!p0 [hbm:s0], s1  }
0x5b: {  	s0 =	simm.s32 @!p0 $0x2  }
0x5c: {  	_ =	swait.ge @!p0 [sflag:s0], s1  }
0x5d: {  	s1 =	ssub.s32 @!p0 $0x0, s1;
	[sflag:s0] =	ssyncset.done @!p0 $0x0  }
0x5e: {  	[sflag:s0] =	ssyncadd.s32 @!p0 s1  }
0x5f: {  	[bflag:$0x3] =	sbarrier.arrive $0xFFFF  }
0x60: {  	_ =	shalt  }

// kernel: sparse-core-data-format-call.cloned.1.call-start
scs
called_computation_lowered:
.L_overlay_start_0:
0x0: {  	s2 =	sld [smem:$0x3FD9]  }
0x1: {  	s3 =	sld [smem:$0x3FFE];
	_ =	sdelay $0x1  }
0x2: {  	s1 =	srdreg.scid  }
0x3: {  	s0 =	sand.u32 $0x1, s1  }
0x4: {  	s18 =	sshll.u32 s0, $0xA;
	s2 =	sadd.s32 s3, s2  }
0x5: {  	s2 =	sadd.s32 s2, s18  }
0x6: {  	[smem:$0x3FB1] =	sst s2  }
0x7: {  	_ = 	snop  }
0x8: {  	s2 =	sld [smem:$0x3FD0];
	(tm) =	ssettm $0x1  }
0x9: {  	s19 =	sld [smem:$0x3FFB];
	_ =	sdelay $0x3  }
0xa: {  	_ =	strace s19  }
0xb: {  	s3 =	sld [smem:$0x3FFC];
	_ =	sdelay $0x3  }
0xc: {  	_ =	strace s3  }
0xd: {  	s3 =	sld [smem:$0x3FFD];
	_ =	sdelay $0x3  }
0xe: {  	_ =	strace s3  }
0xf: {  	_ =	strace $0x8FFFFFFF  }
0x10: {  	s20 =	sld [smem:$0x3FDB];
	_ =	sdelay $0x1  }
0x11: {  	s4 =	simm.s32 $_scs_section_size  }
0x12: {  	s5 =	simm.s32 $_size__tile_overlayer_lowered;
	s6 =	simm.s32 $_tile_overlayer_lowered  }
0x13: {  	s23 =	simm.s32 $0x1BFF;
	s22 =	sshll.u32 s6, $0x1;
	s3 =	sadd.s32 s4, s20  }
0x14: {  	s7 =	simm.s32 $0x0;
	s21 =	sshll.u32 s5, $0x1;
	s5 =	sadd.s32 s22, s3  }
0x15: {  	[timem:s7], [sflag:s23] =	dma.local [hbm:s5], s21  }
0x16: {  	_ =	swait.ge [sflag:s23], s21  }
0x17: {  	s4 =	ssub.s32 $0x0, s21;
	[sflag:s23] =	ssyncset.done $0x0  }
0x18: {  	[sflag:s23] =	ssyncadd.s32 s4;
	_ =	sdelay $0x1  }
0x19: {  	s24 =	simm.s32 $0x1B8B  }
0x1a: {  	_ =	swait.ge [sflag:s24], $0x1  }
0x1b: {  	[sflag:s24] =	ssyncset.done $0x0  }
0x1c: {  	s26 =	simm.s32 $0x1B8E;
	s25 =	sld [smem:$0x3FFE];
	[sflag:s24] =	ssyncadd.s32 $0xFFFFFFFF  }
0x1d: {  	s27 =	simm.s32 $execute0_lowered;
	[smem:$0x3FD2] =	sst s26  }
0x1e: {  	s5 =	sshll.u32 s27, $0x1;
	_ =	strace $0x80000049;
	[dreg:$0x1] =	wrdreg $0xFFFFFFFF  }
0x1f: {  	s28 =	simm.s32 $_size_execute0_lowered;
	s3 =	sadd.s32 s3, s5;
	[dreg:$0x0] =	wrdreg $0x0  }
0x20: {  	s5 =	sshll.u32 s28, $0x1;
	[dreg:$0x2] =	wrdreg s3  }
0x21: {  	[dreg:$0x3] =	wrdreg s5  }
0x22: {  	[dreg:$0x4] =	wrdreg $0xC0  }
0x23: {  	_ =	task [dreg:s7], $0x5FFFF  }
0x24: {  	[dreg:$0x1] =	wrdreg $0xFFFFFFFF  }
0x25: {  	[dreg:$0x0] =	wrdreg $0x60  }
0x26: {  	[dreg:$0x2] =	wrdreg s25  }
0x27: {  	[dreg:$0x3] =	wrdreg s2  }
0x28: {  	[dreg:$0x4] =	wrdreg $0x9  }
0x29: {  	_ =	task.clear_ibuf [dreg:s7], $0x5FFFF;
	_ =	strace $0x90000049  }
0x2a: {  	s29 =	simm.s32 $0x9;
	_ =	strace $0x8000004B  }
0x2b: {  	_ =	swait.ge [sflag:s29], $0x1  }
0x2c: {  	[sflag:s29] =	ssyncadd.s32 $0xFFFFFFFF  }
0x2d: {  	_ =	strace $0x9000004B  }
0x2e: {  	_ =	sfence  }
0x2f: {  	s30 =	sld [smem:$0x0];
	_ =	sdelay $0x2  }
0x30: {  	s31 =	sshll.u32 s1, $0xD;
	s1 =	sshrl.u32 s1, $0x2  }
0x31: {  	s3 =	sand.u32 $0x4000, s31;
	s1 =	sadd.s32 s1, s30  }
0x32: {  	s0 =	sor.u32 s3, s0;
	s1 =	sshll.u32 s1, $0x11  }
0x33: {  	s0 =	sor.u32 s1, s0  }
0x34: {  	s0 =	sadd.s32 $0x8F2B, s0  }
0x35: {  	[sflag:s0] =	ssyncadd.remote.s32 $0x1  }
0x36: {  	_ =	sfence.sel $0xFFFF  }
0x37: {  	[dreg:$0x0] =	wrdreg $0xFFFFFFFF;
	(pc) =	sbr.abs _section_cstart, $3  }
0x38: {  	[dreg:$0x1] =	wrdreg $0xFFFFFFFF  }
0x39: {  	_ =	task.clear_ibuf [dreg:s7], $0x2FFFF;
	_ =	strace $0x9FFFFFFF  }
0x3a: {  	(tm) =	ssettm $0x7FFFFFFF  }
0x3b: {  	_ =	shalt  }
tec
execute0_lowered:
.L_overlay_start_1:
0x0: {  	(tag) =	ssettag $0x1  }
0x1: {  	s3 =	rddreg [dreg:$0x0]  }
0x2: {  	s0 =	srdreg.scid;
	s1 =	rddreg [dreg:$0x1]  }
0x3: {  	s5 =	simm.s32 $0x1;
	s7 =	simm.s32 $0x2;
	s8 =	simm.s32 $0x0  }
0x4: {  	p0 =	por $0x0, $0x0;
	s12 =	simm.s32 $0x0;
	s0 =	sshll.u32 s0, $0x1  }
0x5: {  	s13 =	simm.s32 $0x0;
	s10 =	stileid.u32;
	s2 =	sand.u32 $0x2, s0  }
.Ltmp0:
0x6: {  	s11 =	simm.s32 $0x0;
	s6 =	ssub.s32 $0x80, s2;
	(pc) =	sbr.rel .LBB1_1-.Ltmp0, $4  }
0x7: {  	s4 =	sadd.s32 $0x1200, s3;
	s0 =	rddreg [dreg:$0x2];
	s31 =	sshrl.u32 s6, $0x1  }
0x8: {  	_ =	strace $0x8000004A;
	s6 =	sshrl.u32 s6, $0x2;
	s3 =	sand.u32 $0x1, s31  }
0x9: {  	[sflag:s5] =	ssyncpa.u1 $0x0;
	s9 =	smov.u32 s2;
	s6 =	sadd.s32 s6, s3  }
0xa: {  	[sflag:s7] =	ssyncpa.u1 $0x0;
	s3 =	stileid.u32;
	s7 =	sadd.s32 $0x1, s6  }
.LBB1_7:
0xb: {  	s14 =	sadd.s32 $0x4, s9  }
0xc: {  	s12 =	sadd.s32 $0x10, s10;
	s16 =	smov.u32 s10;
	p2 =	sgt.s32 s14, $0x7F  }
0xd: {  	s16 =	smov.u32 @p2 s12  }
0xe: {  	s14 =	smov.u32 @p2 s2;
	p2 =	sgt.s32 s16, $0xF  }
0xf: {  	s16 =	smov.u32 @p2 s3;
	p2 =	sne.s32 s11, s7  }
.Ltmp1:
0x10: {  	p1 =	slt.u32 s11, $0x2;
	(pc) =	sbr.rel @!p2 .LBB1_8-.Ltmp1, $4  }
0x11: {  	s15 =	simm.s32 @!p1 $0x2  }
0x12: {  	s13 =	smov.u32 s10;
	p0 =	por !p0, !p0;
	_ =	swait.ge @!p1 [sflag:s15], $0x4000  }
0x13: {  	s12 =	smov.u32 s9;
	[sflag:s15] =	ssyncset.done @!p1 $0x0;
	s9 =	smov.u32 s14  }
0x14: {  	s11 =	sadd.s32 $0x1, s11;
	[sflag:s15] =	ssyncadd.s32 @!p1 $0xFFFFC000;
	s10 =	smov.u32 s16  }
.LBB1_1:
0x15: {  	p1 =	sge.u32 s11, s6;
	s31 =	sadd.s32 $0xFFFFFFFF, s11  }
0x16: {  	s14 =	sxor.u32 @!p1 $0xFFFFFFFF, s11;
	s15 =	sshll.u32 @!p1 s10, $0x12;
	s16 =	sshll.u32 @!p1 s9, $0xB  }
0x17: {  	s17 =	simm.s32 @!p1 $0x80;
	s14 =	sshll.u32 @!p1 s14, $0xE;
	s15 =	sadd.s32 @!p1 s4, s15  }
0x18: {  	s14 =	sand.u32 @!p1 $0x4000, s14;
	s15 =	sadd.s32 @!p1 s16, s15;
	s16 =	simm.s32 @!p1 $0x40  }
0x19: {  	[tilespmem:s14], [sflag:$0x1] =	stream.strided.gather @!p1 [hbm4b:s15+s16], $0x4000, s17, s16, $0x38;
	[tilespmem:$0x10100] =	vst v63  }
0x1a: {  	p1 =	sge.u32 s31, s6  }
.Ltmp2:
0x1b: {  	_ = 	snop;
	(pc) =	sbr.rel @p1 .LBB1_7-.Ltmp2, $1  }
0x1c: {  	_ =	sdelay $0x3  }
0x1d: {  	s14 =	simm.s32 $0x1;
	s16 =	sand.u32 $0x1, s11  }
0x1e: {  	_ =	swait.ge [sflag:s5], $0x4000;
	s14 =	simm.s32 @!p0 $0x0;
	s16 =	smul.u32 $0x10200, s16  }
0x1f: {  	p2 =	por $0x1, $0x1;
	[sflag:s5] =	ssyncset.done $0x0;
	s15 =	smul.u32 $0x10200, s14  }
0x20: {  	s17 =	sshll.u32 s14, $0x10;
	[sflag:s5] =	ssyncadd.s32 $0xFFFFC000;
	s30 =	sshrl.u32 s16, $0x2  }
0x21: {  	s31 =	sshrl.u32 s17, $0x2;
	s17 =	simm.s32 $0x0;
	s15 =	sshrl.u32 s15, $0x2  }
0x22: {  	s14 =	sor.u32 $0x8000, s30;
	s16 =	sadd.s32 $0x20, s31;
	s15 =	sor.u32 $0x8000, s15  }
.LBB1_3:
0x23: {  	s18 =	sshll.u32 s17, $0xD  }
0x24: {  	s18 =	sand.u32 $0x3FFFE000, s18  }
0x25: {  	s20 =	sadd.s32 s18, s16  }
0x26: {  	s31 =	smul.u32 $0x8100, s17;
	v3 =	vld [tilespmem:s20+$0x10]  }
0x27: {  	v1 =	vld [tilespmem:s20+$0xFFFFFFF0]  }
0x28: {  	s17 =	sshra.s32 s31, $0x2;
	v0 =	vld [tilespmem:s20+$0x0]  }
0x29: {  	s17 =	sadd.s32 s17, s15;
	v2 =	vld [tilespmem:s20+$0xFFFFFFE0]  }
0x2a: {  	s18 =	sadd.s32 $0x0, s17  }
0x2b: {  	p1 =	por p2, p2;
	s19 =	simm.s32 $0x4;
	s20 =	sadd.s32 $0x40, s20;
	[tilespmem:s18+$0x1830 ss:$0x81] =	vst.msk $0xffff, v3  }
.LBB1_4:
0x2c: {  	v3 =	vld [tilespmem:s20+$0x10];
	p2 =	sne.s32 s19, $0x1FC;
	[tilespmem:s18+$0x810 ss:$0x81] =	vst.msk $0xffff, v1;
	s21 =	smov.u32 s19;
	s19 =	sadd.s32 $0x4, s19  }
.Ltmp3:
0x2d: {  	v1 =	vld [tilespmem:s20+$0xFFFFFFF0];
	[tilespmem:s18+$0x1020 ss:$0x81] =	vst.msk $0xffff, v0;
	(pc) =	sbr.rel @p2 .LBB1_4-.Ltmp3, $4  }
0x2e: {  	v0 =	vld [tilespmem:s20+$0x0];
	[tilespmem:s18+$0x0 ss:$0x81] =	vst.msk $0xffff, v2  }
0x2f: {  	s18 =	sshra.s32 s21, $0x2;
	v2 =	vld [tilespmem:s20+$0xFFFFFFE0]  }
0x30: {  	s18 =	sadd.s32 s18, s17  }
0x31: {  	s20 =	sadd.s32 $0x40, s20;
	[tilespmem:s18+$0x1830 ss:$0x81] =	vst.msk $0xffff, v3  }
.Ltmp4:
0x32: {  	(pc) =	sbr.rel @p1 .LBB1_3-.Ltmp4, $4  }
0x33: {  	_ = 	snop  }
0x34: {  	[tilespmem:s18+$0x810 ss:$0x81] =	vst.msk $0xffff, v1  }
0x35: {  	[tilespmem:s18+$0x1020 ss:$0x81] =	vst.msk $0xffff, v0  }
0x36: {  	s17 =	simm.s32 $0x1;
	p2 =	por $0x0, $0x0;
	[tilespmem:s18+$0x0 ss:$0x81] =	vst.msk $0xffff, v2  }
.Ltmp5:
0x37: {  	(pc) =	sbr.rel .LBB1_7-.Ltmp5, $4  }
0x38: {  	s13 =	sshll.u32 s13, $0x11  }
0x39: {  	s12 =	sshll.u32 s12, $0xA;
	s13 =	sadd.s32 s1, s13  }
0x3a: {  	s12 =	sadd.s32 s12, s13  }
0x3b: {  	[hbm4b:s12+s8] =	stream.linear.scatter [tilespmem:s14], [sflag:$0x2], $0x4000, $0x20;
	[tilespmem:$0x10100] =	vst v63  }
.LBB1_8:
0x3c: {  	_ =	sfence.sel $0x180000  }
0x3d: {  	s1 =	simm.s32 $0x1;
	[bflag:$0x0] =	sbarrier.arrive $0xFFFF  }
0x3e: {  	s31 =	simm.s32 $0x2;
	[sflag:s1] =	ssyncpa.u1 $0x1  }
0x3f: {  	[sflag:s31] =	ssyncpa.u1 $0x1  }
0x40: {  	p0 =	sne.s32 s3, $0x0;
	_ =	strace $0x9000004A  }
0x41: {  	s0 =	sadd.s32 @!p0 $0x100000, s0;
	[bflag:$0x2] =	sbarrier.arrive $0xFFFF  }
0x42: {  	[sflag:s0] =	ssyncadd.tile.s32 @!p0 $0x1;
	_ =	shalt  }
.Lfunc_end1:
_tile_overlayer_lowered:
.L_overlay_start_2:
0x43: {  	(tag) =	ssettag $0x2  }
0x44: {  	s0 =	rddreg [dreg:$0x0];
	s2 =	stileid.u32  }
0x45: {  	s1 =	rddreg [dreg:$0x1];
	p0 =	sne.s32 s2, $0x0  }
0x46: {  	s3 =	rddreg [dreg:$0x2];
	[bflag:$0x3] =	sbarrier.arrive $0xFFFF;
	s2 =	simm.s32 @!p0 $0x1C01  }
0x47: {  	[timem:s3], [sflag:s2] =	dma.local @!p0 [hbm:s0], s1  }
0x48: {  	s0 =	simm.s32 @!p0 $0x1  }
0x49: {  	_ =	swait.ge @!p0 [sflag:s0], s1  }
0x4a: {  	s1 =	ssub.s32 @!p0 $0x0, s1;
	[sflag:s0] =	ssyncset.done @!p0 $0x0  }
0x4b: {  	[sflag:s0] =	ssyncadd.s32 @!p0 s1  }
0x4c: {  	[bflag:$0x3] =	sbarrier.arrive $0xFFFF  }
0x4d: {  	_ =	shalt  }

</sc_bundles>
